<compile_context>
chip_gen: v7x
topology: tpu7x:2x2x1
jax: 0.10.2.dev20260603
libtpu: 0.0.44.dev20260713+nightly
codegen_flags: <defaults>
</compile_context>

<pallas_src>
import functools

import jax
import jax.numpy as jnp
from jax import lax
from jax.experimental import pallas as pl
from jax.experimental.pallas import tpu as pltpu
from jax.experimental.pallas import tpu_sc as plsc

_NODE_SIZE = 100000
_PATH_SIZE = 100
_D = 128
_B = 16384
_L = 16
_NC, _NS = 2, 16
_NW = _NC * _NS
_BPW = _B // _NW
_C = 128
_NCHUNK = _BPW // _C
_PROWS = 8
_PPAD = _PROWS * _NS


def _lane_perm(x, idx):
    dn = lax.GatherDimensionNumbers(offset_dims=(), collapsed_slice_dims=(0,),
                                    start_index_map=(0,))
    return lax.gather(x, idx[:, None], dn, slice_sizes=(1,),
                      mode=lax.GatherScatterMode.PROMISE_IN_BOUNDS)


def _sigmoid(x):
    return 1.0 / (1.0 + jnp.exp(-x))


def _hin2vec_body(start_hbm, end_hbm, path_hbm, node_hbm, ptab_hbm, w_hbm,
                  b_hbm, out_hbm, sidx, eidx, pidx, srows, erows, pwtab,
                  wv, bv, ptmp, ptfull, ostage, pw_shared, sem0, sem1):
    cid = lax.axis_index("c")
    sid = lax.axis_index("s")
    wid = sid * _NC + cid
    base = wid * _BPW

    prologue = [
        pltpu.make_async_copy(w_hbm, wv, sem0),
        pltpu.make_async_copy(b_hbm, bv, sem0),
        pltpu.make_async_copy(ptab_hbm, ptfull, sem0),
        pltpu.make_async_copy(path_hbm.at[pl.ds(base, _BPW)],
                              pidx.at[pl.ds(0, _BPW)], sem0),
    ]
    for c in range(_NCHUNK):
        sl = pl.ds(base + c * _C, _C)
        prologue.append(pltpu.make_async_copy(start_hbm.at[sl], sidx.at[c],
                                              sem0))
        prologue.append(pltpu.make_async_copy(end_hbm.at[sl], eidx.at[c],
                                              sem0))
    for cp in prologue:
        cp.start()
    for cp in prologue:
        cp.wait()

    wregs = [wv[pl.ds(16 * j, _L)] for j in range(_D // _L)]
    bvec = bv[...]
    lane = lax.iota(jnp.int32, _L)
    perm = [(lane + sh) & (_L - 1) for sh in (8, 4, 2, 1)]

    sems = [sem0, sem1]

    def make_copies(c, half):
        hs = pl.ds(half * _C, _C)
        sem = sems[half]
        return (
            pltpu.make_async_copy(node_hbm.at[sidx.at[c]], srows.at[hs],
                                  sem),
            pltpu.make_async_copy(node_hbm.at[eidx.at[c]], erows.at[hs],
                                  sem),
        )

    for cp in make_copies(0, 0):
        cp.start()
    for cp in make_copies(1, 1):
        cp.start()

    prow0 = sid * _PROWS

    half_bit = jnp.full((_L,), 0x8000, jnp.uint32)
    hi_mask = jnp.full((_L,), 0xFFFF0000, jnp.uint32)
    lo_mask = jnp.full((_L,), 0x0000FFFF, jnp.uint32)

    def pw_row(r, _):
        rr = jnp.minimum(prow0 + r, _PATH_SIZE - 1)
        for jj in range(_D // (2 * _L)):
            va = ptfull[rr, pl.ds(32 * jj, _L)]
            vb = ptfull[rr, pl.ds(32 * jj + _L, _L)]
            pa = _sigmoid(va) * wregs[2 * jj]
            pb = _sigmoid(vb) * wregs[2 * jj + 1]
            ua = lax.bitcast_convert_type(pa, jnp.uint32)
            ub = lax.bitcast_convert_type(pb, jnp.uint32)
            packed = ((ua + half_bit) & hi_mask) | (
                ((ub + half_bit) >> 16) & lo_mask)
            ptmp[r, pl.ds(16 * jj, _L)] = packed
        return 0

    lax.fori_loop(0, _PROWS, pw_row, 0)
    pltpu.sync_copy(ptmp, pw_shared.at[pl.ds(prow0, _PROWS)])
    plsc.subcore_barrier()
    pltpu.sync_copy(pw_shared, pwtab)

    def chunk_step(c, half):
        for cp in make_copies(c, half):
            cp.wait()

        rbase = half * _C

        def group_body(g, _):
            def row_body(i, resvec):
                row = rbase + g * _L + i
                pvec = pidx[pl.ds(c * _C + g * _L + i, _L)]
                prow = pvec[0]
                acc = jnp.zeros((_L,), jnp.float32)
                for jj in range(_D // (2 * _L)):
                    pwp = pwtab[prow, pl.ds(16 * jj, _L)]
                    pa = lax.bitcast_convert_type(pwp & hi_mask, jnp.float32)
                    pb = lax.bitcast_convert_type(pwp << 16, jnp.float32)
                    sa = srows[row, pl.ds(32 * jj, _L)]
                    ea = erows[row, pl.ds(32 * jj, _L)]
                    sb = srows[row, pl.ds(32 * jj + _L, _L)]
                    eb = erows[row, pl.ds(32 * jj + _L, _L)]
                    acc = acc + (sa * ea) * pa + (sb * eb) * pb
                for pidx_v in perm:
                    acc = acc + _lane_perm(acc, pidx_v)
                return jnp.where(lane == i, acc, resvec)

            resvec = lax.fori_loop(0, _L, row_body,
                                   jnp.zeros((_L,), jnp.float32))
            outv = _sigmoid(resvec + bvec)
            ostage[pl.ds(c * _C + g * _L, _L)] = outv
            return 0

        lax.fori_loop(0, _C // _L, group_body, 0)

        @pl.when(c + 2 < _NCHUNK)
        def _():
            for cp in make_copies(c + 2, half):
                cp.start()

    def pair_body(it, _):
        chunk_step(2 * it, 0)
        chunk_step(2 * it + 1, 1)
        return 0

    lax.fori_loop(0, _NCHUNK // 2, pair_body, 0)

    pltpu.sync_copy(ostage, out_hbm.at[pl.ds(base, _BPW)])


@jax.jit
def _hin2vec_sc(start_i, end_i, path_i, node_table, ptab, w_flat, b_vec):
    mesh = plsc.VectorSubcoreMesh(core_axis_name="c", subcore_axis_name="s")
    f = functools.partial(
        pl.kernel,
        mesh=mesh,
        out_type=jax.ShapeDtypeStruct((_B,), jnp.float32),
        scratch_types=[
            pltpu.VMEM((_NCHUNK, _C), jnp.int32),
            pltpu.VMEM((_NCHUNK, _C), jnp.int32),
            pltpu.VMEM((_BPW + _L,), jnp.int32),
            pltpu.VMEM((2 * _C, _D), jnp.float32),
            pltpu.VMEM((2 * _C, _D), jnp.float32),
            pltpu.VMEM((_PPAD, _D), jnp.uint32),
            pltpu.VMEM((_D,), jnp.float32),
            pltpu.VMEM((_L,), jnp.float32),
            pltpu.VMEM((_PROWS, _D), jnp.uint32),
            pltpu.VMEM((_PATH_SIZE, _D), jnp.float32),
            pltpu.VMEM((_BPW,), jnp.float32),
            pltpu.VMEM_SHARED((_PPAD, _D), jnp.uint32),
            pltpu.SemaphoreType.DMA,
            pltpu.SemaphoreType.DMA,
        ],
    )(_hin2vec_body)
    return f(start_i, end_i, path_i, node_table, ptab, w_flat, b_vec)


def _as_i32(x):
    return x if x.dtype == jnp.int32 else x.astype(jnp.int32)


def kernel(start_node, end_node, path, node_table, path_table, W, b):
    w_flat = W.reshape(_D)
    b_vec = jnp.broadcast_to(b.reshape(()), (_L,)).astype(jnp.float32)
    out = _hin2vec_sc(_as_i32(start_node), _as_i32(end_node), _as_i32(path),
                      node_table, path_table, w_flat, b_vec)
    return out.reshape(_B, 1)

# --- scband reference (transcript-rebuilt; emitter-appended) ---
"""Pipeline reference for scband-hin2vec-71442486002027 (READ-ONLY COPY).

The authoritative reference and input builder live on the scoring server;
editing this copy changes nothing except your own understanding.
"""

import jax, jax.numpy as jnp
import numpy as np

NODE_SIZE = 100000
PATH_SIZE = 100
EMBED_DIM = 128
BATCH = 16384

def setup_inputs(seed: int = 0) -> dict:
    key = jax.random.key(seed)
    k1, k2, k3, k4, k5, k6 = jax.random.split(key, 6)
    start_node = jax.random.randint(k1, (BATCH,), 0, NODE_SIZE, dtype=jnp.int64) if jax.config.jax_enable_x64 else jax.random.randint(k1, (BATCH,), 0, NODE_SIZE)
    end_node = jax.random.randint(k2, (BATCH,), 0, NODE_SIZE)
    path = jax.random.randint(k3, (BATCH,), 0, PATH_SIZE)
    node_table = jax.random.normal(k4, (NODE_SIZE, EMBED_DIM), dtype=jnp.float32)
    path_table = jax.random.normal(k5, (PATH_SIZE, EMBED_DIM), dtype=jnp.float32)
    W = jax.random.normal(k6, (EMBED_DIM, 1), dtype=jnp.float32) * 0.05
    b = jnp.zeros((1,), dtype=jnp.float32)
    return {"start_node": start_node, "end_node": end_node, "path": path,
            "node_table": node_table, "path_table": path_table, "W": W, "b": b}

def reference(start_node, end_node, path, node_table, path_table, W, b):
    # start_embeds and end_embeds share the same table (r=True)
    s = jnp.take(node_table, start_node, axis=0)
    e = jnp.take(node_table, end_node, axis=0)
    p = jax.nn.sigmoid(jnp.take(path_table, path, axis=0))
    agg = s * e
    agg = agg * p
    out = jax.nn.sigmoid(agg @ W + b)
    return out

if __name__ == "__main__":
    import jax
    _d = setup_inputs()
    print(jax.jit(kernel)(*tuple(_d.values())))

</pallas_src>

<mosaic_0001>
#map = affine_map<(d0, d1) -> (0)>
#map1 = affine_map<(d0, d1) -> (0, 0)>
module attributes {stable_mosaic.version = 14 : i64} {
  func.func @_hin2vec_body(%arg0: i32, %arg1: i32, %arg2: memref<16384xi32, #tpu.memory_space<hbm>>, %arg3: memref<16384xi32, #tpu.memory_space<hbm>>, %arg4: memref<16384xi32, #tpu.memory_space<hbm>>, %arg5: memref<100000x128xf32, #tpu.memory_space<hbm>>, %arg6: memref<100x128xf32, #tpu.memory_space<hbm>>, %arg7: memref<128xf32, #tpu.memory_space<hbm>>, %arg8: memref<16xf32, #tpu.memory_space<hbm>>, %arg9: memref<16384xf32, #tpu.memory_space<hbm>>, %arg10: memref<4x128xi32, #tpu.memory_space<vmem>>, %arg11: memref<4x128xi32, #tpu.memory_space<vmem>>, %arg12: memref<528xi32, #tpu.memory_space<vmem>>, %arg13: memref<256x128xf32, #tpu.memory_space<vmem>>, %arg14: memref<256x128xf32, #tpu.memory_space<vmem>>, %arg15: memref<128x128xi32, #tpu.memory_space<vmem>>, %arg16: memref<128xf32, #tpu.memory_space<vmem>>, %arg17: memref<16xf32, #tpu.memory_space<vmem>>, %arg18: memref<8x128xi32, #tpu.memory_space<vmem>>, %arg19: memref<100x128xf32, #tpu.memory_space<vmem>>, %arg20: memref<512xf32, #tpu.memory_space<vmem>>, %arg21: memref<128x128xi32, #tpu.memory_space<vmem_shared>>, %arg22: memref<!tpu.dma_semaphore, #tpu.memory_space<semaphore_mem>>, %arg23: memref<!tpu.dma_semaphore, #tpu.memory_space<semaphore_mem>>) attributes {dimension_semantics = [#tpu.dimension_semantics<core_parallel>, #tpu.dimension_semantics<subcore_parallel>], iteration_bounds = array<i64: 2, 16>, scalar_prefetch = 0 : i64, scratch_operands = 14 : i64, tpu.core_type = #tpu.core_type<sc_vector_subcore>, window_params = [{transform_indices = #map}, {transform_indices = #map}, {transform_indices = #map}, {transform_indices = #map1}, {transform_indices = #map1}, {transform_indices = #map}, {transform_indices = #map}, {transform_indices = #map}]} {
    %mul3A = arith.constant 2 : i32
    %mul3A_0 = arith.muli %arg1, %mul3A : i32
    %add3A = arith.addi %mul3A_0, %arg0 : i32
    %mul3A_1 = arith.constant 512 : i32
    %mul3A_2 = arith.muli %add3A, %mul3A_1 : i32
    %add3A_3 = arith.constant 0 : i32
    %add3A_4 = arith.addi %mul3A_2, %add3A_3 : i32
    %add3A_5 = arith.constant 128 : i32
    %add3A_6 = arith.addi %mul3A_2, %add3A_5 : i32
    %add3A_7 = arith.constant 256 : i32
    %add3A_8 = arith.addi %mul3A_2, %add3A_7 : i32
    %add3A_9 = arith.constant 384 : i32
    %add3A_10 = arith.addi %mul3A_2, %add3A_9 : i32
    tpu.enqueue_dma source(%arg7 : memref<128xf32, #tpu.memory_space<hbm>>) target(%arg16 : memref<128xf32, #tpu.memory_space<vmem>>) target_semaphore(%arg22 : memref<!tpu.dma_semaphore, #tpu.memory_space<semaphore_mem>>)
    tpu.enqueue_dma source(%arg8 : memref<16xf32, #tpu.memory_space<hbm>>) target(%arg17 : memref<16xf32, #tpu.memory_space<vmem>>) target_semaphore(%arg22 : memref<!tpu.dma_semaphore, #tpu.memory_space<semaphore_mem>>)
    tpu.enqueue_dma source(%arg6 : memref<100x128xf32, #tpu.memory_space<hbm>>) target(%arg19 : memref<100x128xf32, #tpu.memory_space<vmem>>) target_semaphore(%arg22 : memref<!tpu.dma_semaphore, #tpu.memory_space<semaphore_mem>>)
    %dma_start3A = arith.constant 0 : i32
    %dma_start3A_11 = tpu.memref_slice %arg12[%dma_start3A] : memref<528xi32, #tpu.memory_space<vmem>> -> memref<512xi32, #tpu.memory_space<vmem>>
    %dma_start3A_12 = tpu.memref_slice %arg4[%mul3A_2] : memref<16384xi32, #tpu.memory_space<hbm>> -> memref<512xi32, #tpu.memory_space<hbm>>
    %dma_start3A_13 = arith.constant 0 : i32
    %dma_start3A_14 = tpu.memref_slice %arg12[%dma_start3A_13] : memref<528xi32, #tpu.memory_space<vmem>> -> memref<512xi32, #tpu.memory_space<vmem>>
    %dma_start3A_15 = tpu.memref_slice %arg4[%mul3A_2] : memref<16384xi32, #tpu.memory_space<hbm>> -> memref<512xi32, #tpu.memory_space<hbm>>
    tpu.enqueue_dma source(%dma_start3A_15 : memref<512xi32, #tpu.memory_space<hbm>>) target(%dma_start3A_14 : memref<512xi32, #tpu.memory_space<vmem>>) target_semaphore(%arg22 : memref<!tpu.dma_semaphore, #tpu.memory_space<semaphore_mem>>)
    %dma_start3A_16 = arith.constant 0 : i32
    %dma_start3A_17 = arith.constant 0 : i32
    %dma_start3A_18 = tpu.memref_slice %arg10[%dma_start3A_16, %dma_start3A_17] : memref<4x128xi32, #tpu.memory_space<vmem>> -> memref<1x128xi32, #tpu.memory_space<vmem>>
    %dma_start3A_19 = tpu.memref_squeeze %dma_start3A_18 : memref<1x128xi32, #tpu.memory_space<vmem>> -> memref<128xi32, #tpu.memory_space<vmem>>
    %dma_start3A_20 = tpu.memref_slice %arg2[%add3A_4] : memref<16384xi32, #tpu.memory_space<hbm>> -> memref<128xi32, #tpu.memory_space<hbm>>
    %dma_start3A_21 = arith.constant 0 : i32
    %dma_start3A_22 = tpu.memref_slice %arg10[%dma_start3A_16, %dma_start3A_21] : memref<4x128xi32, #tpu.memory_space<vmem>> -> memref<1x128xi32, #tpu.memory_space<vmem>>
    %dma_start3A_23 = tpu.memref_squeeze %dma_start3A_22 : memref<1x128xi32, #tpu.memory_space<vmem>> -> memref<128xi32, #tpu.memory_space<vmem>>
    %dma_start3A_24 = tpu.memref_slice %arg2[%add3A_4] : memref<16384xi32, #tpu.memory_space<hbm>> -> memref<128xi32, #tpu.memory_space<hbm>>
    tpu.enqueue_dma source(%dma_start3A_24 : memref<128xi32, #tpu.memory_space<hbm>>) target(%dma_start3A_23 : memref<128xi32, #tpu.memory_space<vmem>>) target_semaphore(%arg22 : memref<!tpu.dma_semaphore, #tpu.memory_space<semaphore_mem>>)
    %dma_start3A_25 = arith.constant 0 : i32
    %dma_start3A_26 = arith.constant 0 : i32
    %dma_start3A_27 = tpu.memref_slice %arg11[%dma_start3A_25, %dma_start3A_26] : memref<4x128xi32, #tpu.memory_space<vmem>> -> memref<1x128xi32, #tpu.memory_space<vmem>>
    %dma_start3A_28 = tpu.memref_squeeze %dma_start3A_27 : memref<1x128xi32, #tpu.memory_space<vmem>> -> memref<128xi32, #tpu.memory_space<vmem>>
    %dma_start3A_29 = tpu.memref_slice %arg3[%add3A_4] : memref<16384xi32, #tpu.memory_space<hbm>> -> memref<128xi32, #tpu.memory_space<hbm>>
    %dma_start3A_30 = arith.constant 0 : i32
    %dma_start3A_31 = tpu.memref_slice %arg11[%dma_start3A_25, %dma_start3A_30] : memref<4x128xi32, #tpu.memory_space<vmem>> -> memref<1x128xi32, #tpu.memory_space<vmem>>
    %dma_start3A_32 = tpu.memref_squeeze %dma_start3A_31 : memref<1x128xi32, #tpu.memory_space<vmem>> -> memref<128xi32, #tpu.memory_space<vmem>>
    %dma_start3A_33 = tpu.memref_slice %arg3[%add3A_4] : memref<16384xi32, #tpu.memory_space<hbm>> -> memref<128xi32, #tpu.memory_space<hbm>>
    tpu.enqueue_dma source(%dma_start3A_33 : memref<128xi32, #tpu.memory_space<hbm>>) target(%dma_start3A_32 : memref<128xi32, #tpu.memory_space<vmem>>) target_semaphore(%arg22 : memref<!tpu.dma_semaphore, #tpu.memory_space<semaphore_mem>>)
    %dma_start3A_34 = arith.constant 1 : i32
    %dma_start3A_35 = arith.constant 0 : i32
    %dma_start3A_36 = tpu.memref_slice %arg10[%dma_start3A_34, %dma_start3A_35] : memref<4x128xi32, #tpu.memory_space<vmem>> -> memref<1x128xi32, #tpu.memory_space<vmem>>
    %dma_start3A_37 = tpu.memref_squeeze %dma_start3A_36 : memref<1x128xi32, #tpu.memory_space<vmem>> -> memref<128xi32, #tpu.memory_space<vmem>>
    %dma_start3A_38 = tpu.memref_slice %arg2[%add3A_6] : memref<16384xi32, #tpu.memory_space<hbm>> -> memref<128xi32, #tpu.memory_space<hbm>>
    %dma_start3A_39 = arith.constant 0 : i32
    %dma_start3A_40 = tpu.memref_slice %arg10[%dma_start3A_34, %dma_start3A_39] : memref<4x128xi32, #tpu.memory_space<vmem>> -> memref<1x128xi32, #tpu.memory_space<vmem>>
    %dma_start3A_41 = tpu.memref_squeeze %dma_start3A_40 : memref<1x128xi32, #tpu.memory_space<vmem>> -> memref<128xi32, #tpu.memory_space<vmem>>
    %dma_start3A_42 = tpu.memref_slice %arg2[%add3A_6] : memref<16384xi32, #tpu.memory_space<hbm>> -> memref<128xi32, #tpu.memory_space<hbm>>
    tpu.enqueue_dma source(%dma_start3A_42 : memref<128xi32, #tpu.memory_space<hbm>>) target(%dma_start3A_41 : memref<128xi32, #tpu.memory_space<vmem>>) target_semaphore(%arg22 : memref<!tpu.dma_semaphore, #tpu.memory_space<semaphore_mem>>)
    %dma_start3A_43 = arith.constant 1 : i32
    %dma_start3A_44 = arith.constant 0 : i32
    %dma_start3A_45 = tpu.memref_slice %arg11[%dma_start3A_43, %dma_start3A_44] : memref<4x128xi32, #tpu.memory_space<vmem>> -> memref<1x128xi32, #tpu.memory_space<vmem>>
    %dma_start3A_46 = tpu.memref_squeeze %dma_start3A_45 : memref<1x128xi32, #tpu.memory_space<vmem>> -> memref<128xi32, #tpu.memory_space<vmem>>
    %dma_start3A_47 = tpu.memref_slice %arg3[%add3A_6] : memref<16384xi32, #tpu.memory_space<hbm>> -> memref<128xi32, #tpu.memory_space<hbm>>
    %dma_start3A_48 = arith.constant 0 : i32
    %dma_start3A_49 = tpu.memref_slice %arg11[%dma_start3A_43, %dma_start3A_48] : memref<4x128xi32, #tpu.memory_space<vmem>> -> memref<1x128xi32, #tpu.memory_space<vmem>>
    %dma_start3A_50 = tpu.memref_squeeze %dma_start3A_49 : memref<1x128xi32, #tpu.memory_space<vmem>> -> memref<128xi32, #tpu.memory_space<vmem>>
    %dma_start3A_51 = tpu.memref_slice %arg3[%add3A_6] : memref<16384xi32, #tpu.memory_space<hbm>> -> memref<128xi32, #tpu.memory_space<hbm>>
    tpu.enqueue_dma source(%dma_start3A_51 : memref<128xi32, #tpu.memory_space<hbm>>) target(%dma_start3A_50 : memref<128xi32, #tpu.memory_space<vmem>>) target_semaphore(%arg22 : memref<!tpu.dma_semaphore, #tpu.memory_space<semaphore_mem>>)
    %dma_start3A_52 = arith.constant 2 : i32
    %dma_start3A_53 = arith.constant 0 : i32
    %dma_start3A_54 = tpu.memref_slice %arg10[%dma_start3A_52, %dma_start3A_53] : memref<4x128xi32, #tpu.memory_space<vmem>> -> memref<1x128xi32, #tpu.memory_space<vmem>>
    %dma_start3A_55 = tpu.memref_squeeze %dma_start3A_54 : memref<1x128xi32, #tpu.memory_space<vmem>> -> memref<128xi32, #tpu.memory_space<vmem>>
    %dma_start3A_56 = tpu.memref_slice %arg2[%add3A_8] : memref<16384xi32, #tpu.memory_space<hbm>> -> memref<128xi32, #tpu.memory_space<hbm>>
    %dma_start3A_57 = arith.constant 0 : i32
    %dma_start3A_58 = tpu.memref_slice %arg10[%dma_start3A_52, %dma_start3A_57] : memref<4x128xi32, #tpu.memory_space<vmem>> -> memref<1x128xi32, #tpu.memory_space<vmem>>
    %dma_start3A_59 = tpu.memref_squeeze %dma_start3A_58 : memref<1x128xi32, #tpu.memory_space<vmem>> -> memref<128xi32, #tpu.memory_space<vmem>>
    %dma_start3A_60 = tpu.memref_slice %arg2[%add3A_8] : memref<16384xi32, #tpu.memory_space<hbm>> -> memref<128xi32, #tpu.memory_space<hbm>>
    tpu.enqueue_dma source(%dma_start3A_60 : memref<128xi32, #tpu.memory_space<hbm>>) target(%dma_start3A_59 : memref<128xi32, #tpu.memory_space<vmem>>) target_semaphore(%arg22 : memref<!tpu.dma_semaphore, #tpu.memory_space<semaphore_mem>>)
    %dma_start3A_61 = arith.constant 2 : i32
    %dma_start3A_62 = arith.constant 0 : i32
    %dma_start3A_63 = tpu.memref_slice %arg11[%dma_start3A_61, %dma_start3A_62] : memref<4x128xi32, #tpu.memory_space<vmem>> -> memref<1x128xi32, #tpu.memory_space<vmem>>
    %dma_start3A_64 = tpu.memref_squeeze %dma_start3A_63 : memref<1x128xi32, #tpu.memory_space<vmem>> -> memref<128xi32, #tpu.memory_space<vmem>>
    %dma_start3A_65 = tpu.memref_slice %arg3[%add3A_8] : memref<16384xi32, #tpu.memory_space<hbm>> -> memref<128xi32, #tpu.memory_space<hbm>>
    %dma_start3A_66 = arith.constant 0 : i32
    %dma_start3A_67 = tpu.memref_slice %arg11[%dma_start3A_61, %dma_start3A_66] : memref<4x128xi32, #tpu.memory_space<vmem>> -> memref<1x128xi32, #tpu.memory_space<vmem>>
    %dma_start3A_68 = tpu.memref_squeeze %dma_start3A_67 : memref<1x128xi32, #tpu.memory_space<vmem>> -> memref<128xi32, #tpu.memory_space<vmem>>
    %dma_start3A_69 = tpu.memref_slice %arg3[%add3A_8] : memref<16384xi32, #tpu.memory_space<hbm>> -> memref<128xi32, #tpu.memory_space<hbm>>
    tpu.enqueue_dma source(%dma_start3A_69 : memref<128xi32, #tpu.memory_space<hbm>>) target(%dma_start3A_68 : memref<128xi32, #tpu.memory_space<vmem>>) target_semaphore(%arg22 : memref<!tpu.dma_semaphore, #tpu.memory_space<semaphore_mem>>)
    %dma_start3A_70 = arith.constant 3 : i32
    %dma_start3A_71 = arith.constant 0 : i32
    %dma_start3A_72 = tpu.memref_slice %arg10[%dma_start3A_70, %dma_start3A_71] : memref<4x128xi32, #tpu.memory_space<vmem>> -> memref<1x128xi32, #tpu.memory_space<vmem>>
    %dma_start3A_73 = tpu.memref_squeeze %dma_start3A_72 : memref<1x128xi32, #tpu.memory_space<vmem>> -> memref<128xi32, #tpu.memory_space<vmem>>
    %dma_start3A_74 = tpu.memref_slice %arg2[%add3A_10] : memref<16384xi32, #tpu.memory_space<hbm>> -> memref<128xi32, #tpu.memory_space<hbm>>
    %dma_start3A_75 = arith.constant 0 : i32
    %dma_start3A_76 = tpu.memref_slice %arg10[%dma_start3A_70, %dma_start3A_75] : memref<4x128xi32, #tpu.memory_space<vmem>> -> memref<1x128xi32, #tpu.memory_space<vmem>>
    %dma_start3A_77 = tpu.memref_squeeze %dma_start3A_76 : memref<1x128xi32, #tpu.memory_space<vmem>> -> memref<128xi32, #tpu.memory_space<vmem>>
    %dma_start3A_78 = tpu.memref_slice %arg2[%add3A_10] : memref<16384xi32, #tpu.memory_space<hbm>> -> memref<128xi32, #tpu.memory_space<hbm>>
    tpu.enqueue_dma source(%dma_start3A_78 : memref<128xi32, #tpu.memory_space<hbm>>) target(%dma_start3A_77 : memref<128xi32, #tpu.memory_space<vmem>>) target_semaphore(%arg22 : memref<!tpu.dma_semaphore, #tpu.memory_space<semaphore_mem>>)
    %dma_start3A_79 = arith.constant 3 : i32
    %dma_start3A_80 = arith.constant 0 : i32
    %dma_start3A_81 = tpu.memref_slice %arg11[%dma_start3A_79, %dma_start3A_80] : memref<4x128xi32, #tpu.memory_space<vmem>> -> memref<1x128xi32, #tpu.memory_space<vmem>>
    %dma_start3A_82 = tpu.memref_squeeze %dma_start3A_81 : memref<1x128xi32, #tpu.memory_space<vmem>> -> memref<128xi32, #tpu.memory_space<vmem>>
    %dma_start3A_83 = tpu.memref_slice %arg3[%add3A_10] : memref<16384xi32, #tpu.memory_space<hbm>> -> memref<128xi32, #tpu.memory_space<hbm>>
    %dma_start3A_84 = arith.constant 0 : i32
    %dma_start3A_85 = tpu.memref_slice %arg11[%dma_start3A_79, %dma_start3A_84] : memref<4x128xi32, #tpu.memory_space<vmem>> -> memref<1x128xi32, #tpu.memory_space<vmem>>
    %dma_start3A_86 = tpu.memref_squeeze %dma_start3A_85 : memref<1x128xi32, #tpu.memory_space<vmem>> -> memref<128xi32, #tpu.memory_space<vmem>>
    %dma_start3A_87 = tpu.memref_slice %arg3[%add3A_10] : memref<16384xi32, #tpu.memory_space<hbm>> -> memref<128xi32, #tpu.memory_space<hbm>>
    tpu.enqueue_dma source(%dma_start3A_87 : memref<128xi32, #tpu.memory_space<hbm>>) target(%dma_start3A_86 : memref<128xi32, #tpu.memory_space<vmem>>) target_semaphore(%arg22 : memref<!tpu.dma_semaphore, #tpu.memory_space<semaphore_mem>>)
    tpu.wait_dma2 semaphore(%arg22 : memref<!tpu.dma_semaphore, #tpu.memory_space<semaphore_mem>>) src(%arg7 : memref<128xf32, #tpu.memory_space<hbm>>) dst(%arg16 : memref<128xf32, #tpu.memory_space<vmem>>)
    tpu.wait_dma2 semaphore(%arg22 : memref<!tpu.dma_semaphore, #tpu.memory_space<semaphore_mem>>) src(%arg8 : memref<16xf32, #tpu.memory_space<hbm>>) dst(%arg17 : memref<16xf32, #tpu.memory_space<vmem>>)
    tpu.wait_dma2 semaphore(%arg22 : memref<!tpu.dma_semaphore, #tpu.memory_space<semaphore_mem>>) src(%arg6 : memref<100x128xf32, #tpu.memory_space<hbm>>) dst(%arg19 : memref<100x128xf32, #tpu.memory_space<vmem>>)
    %dma_wait3A = arith.constant 0 : i32
    %dma_wait3A_88 = tpu.memref_slice %arg12[%dma_wait3A] : memref<528xi32, #tpu.memory_space<vmem>> -> memref<512xi32, #tpu.memory_space<vmem>>
    %dma_wait3A_89 = tpu.memref_slice %arg4[%mul3A_2] : memref<16384xi32, #tpu.memory_space<hbm>> -> memref<512xi32, #tpu.memory_space<hbm>>
    %dma_wait3A_90 = arith.constant 0 : i32
    %dma_wait3A_91 = tpu.memref_slice %arg12[%dma_wait3A_90] : memref<528xi32, #tpu.memory_space<vmem>> -> memref<512xi32, #tpu.memory_space<vmem>>
    %dma_wait3A_92 = tpu.memref_slice %arg4[%mul3A_2] : memref<16384xi32, #tpu.memory_space<hbm>> -> memref<512xi32, #tpu.memory_space<hbm>>
    tpu.wait_dma2 semaphore(%arg22 : memref<!tpu.dma_semaphore, #tpu.memory_space<semaphore_mem>>) src(%dma_wait3A_92 : memref<512xi32, #tpu.memory_space<hbm>>) dst(%dma_wait3A_91 : memref<512xi32, #tpu.memory_space<vmem>>)
    %dma_wait3A_93 = arith.constant 0 : i32
    %dma_wait3A_94 = arith.constant 0 : i32
    %dma_wait3A_95 = tpu.memref_slice %arg10[%dma_wait3A_93, %dma_wait3A_94] : memref<4x128xi32, #tpu.memory_space<vmem>> -> memref<1x128xi32, #tpu.memory_space<vmem>>
    %dma_wait3A_96 = tpu.memref_squeeze %dma_wait3A_95 : memref<1x128xi32, #tpu.memory_space<vmem>> -> memref<128xi32, #tpu.memory_space<vmem>>
    %dma_wait3A_97 = tpu.memref_slice %arg2[%add3A_4] : memref<16384xi32, #tpu.memory_space<hbm>> -> memref<128xi32, #tpu.memory_space<hbm>>
    %dma_wait3A_98 = arith.constant 0 : i32
    %dma_wait3A_99 = tpu.memref_slice %arg10[%dma_wait3A_93, %dma_wait3A_98] : memref<4x128xi32, #tpu.memory_space<vmem>> -> memref<1x128xi32, #tpu.memory_space<vmem>>
    %dma_wait3A_100 = tpu.memref_squeeze %dma_wait3A_99 : memref<1x128xi32, #tpu.memory_space<vmem>> -> memref<128xi32, #tpu.memory_space<vmem>>
    %dma_wait3A_101 = tpu.memref_slice %arg2[%add3A_4] : memref<16384xi32, #tpu.memory_space<hbm>> -> memref<128xi32, #tpu.memory_space<hbm>>
    tpu.wait_dma2 semaphore(%arg22 : memref<!tpu.dma_semaphore, #tpu.memory_space<semaphore_mem>>) src(%dma_wait3A_101 : memref<128xi32, #tpu.memory_space<hbm>>) dst(%dma_wait3A_100 : memref<128xi32, #tpu.memory_space<vmem>>)
    %dma_wait3A_102 = arith.constant 0 : i32
    %dma_wait3A_103 = arith.constant 0 : i32
    %dma_wait3A_104 = tpu.memref_slice %arg11[%dma_wait3A_102, %dma_wait3A_103] : memref<4x128xi32, #tpu.memory_space<vmem>> -> memref<1x128xi32, #tpu.memory_space<vmem>>
    %dma_wait3A_105 = tpu.memref_squeeze %dma_wait3A_104 : memref<1x128xi32, #tpu.memory_space<vmem>> -> memref<128xi32, #tpu.memory_space<vmem>>
    %dma_wait3A_106 = tpu.memref_slice %arg3[%add3A_4] : memref<16384xi32, #tpu.memory_space<hbm>> -> memref<128xi32, #tpu.memory_space<hbm>>
    %dma_wait3A_107 = arith.constant 0 : i32
    %dma_wait3A_108 = tpu.memref_slice %arg11[%dma_wait3A_102, %dma_wait3A_107] : memref<4x128xi32, #tpu.memory_space<vmem>> -> memref<1x128xi32, #tpu.memory_space<vmem>>
    %dma_wait3A_109 = tpu.memref_squeeze %dma_wait3A_108 : memref<1x128xi32, #tpu.memory_space<vmem>> -> memref<128xi32, #tpu.memory_space<vmem>>
    %dma_wait3A_110 = tpu.memref_slice %arg3[%add3A_4] : memref<16384xi32, #tpu.memory_space<hbm>> -> memref<128xi32, #tpu.memory_space<hbm>>
    tpu.wait_dma2 semaphore(%arg22 : memref<!tpu.dma_semaphore, #tpu.memory_space<semaphore_mem>>) src(%dma_wait3A_110 : memref<128xi32, #tpu.memory_space<hbm>>) dst(%dma_wait3A_109 : memref<128xi32, #tpu.memory_space<vmem>>)
    %dma_wait3A_111 = arith.constant 1 : i32
    %dma_wait3A_112 = arith.constant 0 : i32
    %dma_wait3A_113 = tpu.memref_slice %arg10[%dma_wait3A_111, %dma_wait3A_112] : memref<4x128xi32, #tpu.memory_space<vmem>> -> memref<1x128xi32, #tpu.memory_space<vmem>>
    %dma_wait3A_114 = tpu.memref_squeeze %dma_wait3A_113 : memref<1x128xi32, #tpu.memory_space<vmem>> -> memref<128xi32, #tpu.memory_space<vmem>>
    %dma_wait3A_115 = tpu.memref_slice %arg2[%add3A_6] : memref<16384xi32, #tpu.memory_space<hbm>> -> memref<128xi32, #tpu.memory_space<hbm>>
    %dma_wait3A_116 = arith.constant 0 : i32
    %dma_wait3A_117 = tpu.memref_slice %arg10[%dma_wait3A_111, %dma_wait3A_116] : memref<4x128xi32, #tpu.memory_space<vmem>> -> memref<1x128xi32, #tpu.memory_space<vmem>>
    %dma_wait3A_118 = tpu.memref_squeeze %dma_wait3A_117 : memref<1x128xi32, #tpu.memory_space<vmem>> -> memref<128xi32, #tpu.memory_space<vmem>>
    %dma_wait3A_119 = tpu.memref_slice %arg2[%add3A_6] : memref<16384xi32, #tpu.memory_space<hbm>> -> memref<128xi32, #tpu.memory_space<hbm>>
    tpu.wait_dma2 semaphore(%arg22 : memref<!tpu.dma_semaphore, #tpu.memory_space<semaphore_mem>>) src(%dma_wait3A_119 : memref<128xi32, #tpu.memory_space<hbm>>) dst(%dma_wait3A_118 : memref<128xi32, #tpu.memory_space<vmem>>)
    %dma_wait3A_120 = arith.constant 1 : i32
    %dma_wait3A_121 = arith.constant 0 : i32
    %dma_wait3A_122 = tpu.memref_slice %arg11[%dma_wait3A_120, %dma_wait3A_121] : memref<4x128xi32, #tpu.memory_space<vmem>> -> memref<1x128xi32, #tpu.memory_space<vmem>>
    %dma_wait3A_123 = tpu.memref_squeeze %dma_wait3A_122 : memref<1x128xi32, #tpu.memory_space<vmem>> -> memref<128xi32, #tpu.memory_space<vmem>>
    %dma_wait3A_124 = tpu.memref_slice %arg3[%add3A_6] : memref<16384xi32, #tpu.memory_space<hbm>> -> memref<128xi32, #tpu.memory_space<hbm>>
    %dma_wait3A_125 = arith.constant 0 : i32
    %dma_wait3A_126 = tpu.memref_slice %arg11[%dma_wait3A_120, %dma_wait3A_125] : memref<4x128xi32, #tpu.memory_space<vmem>> -> memref<1x128xi32, #tpu.memory_space<vmem>>
    %dma_wait3A_127 = tpu.memref_squeeze %dma_wait3A_126 : memref<1x128xi32, #tpu.memory_space<vmem>> -> memref<128xi32, #tpu.memory_space<vmem>>
    %dma_wait3A_128 = tpu.memref_slice %arg3[%add3A_6] : memref<16384xi32, #tpu.memory_space<hbm>> -> memref<128xi32, #tpu.memory_space<hbm>>
    tpu.wait_dma2 semaphore(%arg22 : memref<!tpu.dma_semaphore, #tpu.memory_space<semaphore_mem>>) src(%dma_wait3A_128 : memref<128xi32, #tpu.memory_space<hbm>>) dst(%dma_wait3A_127 : memref<128xi32, #tpu.memory_space<vmem>>)
    %dma_wait3A_129 = arith.constant 2 : i32
    %dma_wait3A_130 = arith.constant 0 : i32
    %dma_wait3A_131 = tpu.memref_slice %arg10[%dma_wait3A_129, %dma_wait3A_130] : memref<4x128xi32, #tpu.memory_space<vmem>> -> memref<1x128xi32, #tpu.memory_space<vmem>>
    %dma_wait3A_132 = tpu.memref_squeeze %dma_wait3A_131 : memref<1x128xi32, #tpu.memory_space<vmem>> -> memref<128xi32, #tpu.memory_space<vmem>>
    %dma_wait3A_133 = tpu.memref_slice %arg2[%add3A_8] : memref<16384xi32, #tpu.memory_space<hbm>> -> memref<128xi32, #tpu.memory_space<hbm>>
    %dma_wait3A_134 = arith.constant 0 : i32
    %dma_wait3A_135 = tpu.memref_slice %arg10[%dma_wait3A_129, %dma_wait3A_134] : memref<4x128xi32, #tpu.memory_space<vmem>> -> memref<1x128xi32, #tpu.memory_space<vmem>>
    %dma_wait3A_136 = tpu.memref_squeeze %dma_wait3A_135 : memref<1x128xi32, #tpu.memory_space<vmem>> -> memref<128xi32, #tpu.memory_space<vmem>>
    %dma_wait3A_137 = tpu.memref_slice %arg2[%add3A_8] : memref<16384xi32, #tpu.memory_space<hbm>> -> memref<128xi32, #tpu.memory_space<hbm>>
    tpu.wait_dma2 semaphore(%arg22 : memref<!tpu.dma_semaphore, #tpu.memory_space<semaphore_mem>>) src(%dma_wait3A_137 : memref<128xi32, #tpu.memory_space<hbm>>) dst(%dma_wait3A_136 : memref<128xi32, #tpu.memory_space<vmem>>)
    %dma_wait3A_138 = arith.constant 2 : i32
    %dma_wait3A_139 = arith.constant 0 : i32
    %dma_wait3A_140 = tpu.memref_slice %arg11[%dma_wait3A_138, %dma_wait3A_139] : memref<4x128xi32, #tpu.memory_space<vmem>> -> memref<1x128xi32, #tpu.memory_space<vmem>>
    %dma_wait3A_141 = tpu.memref_squeeze %dma_wait3A_140 : memref<1x128xi32, #tpu.memory_space<vmem>> -> memref<128xi32, #tpu.memory_space<vmem>>
    %dma_wait3A_142 = tpu.memref_slice %arg3[%add3A_8] : memref<16384xi32, #tpu.memory_space<hbm>> -> memref<128xi32, #tpu.memory_space<hbm>>
    %dma_wait3A_143 = arith.constant 0 : i32
    %dma_wait3A_144 = tpu.memref_slice %arg11[%dma_wait3A_138, %dma_wait3A_143] : memref<4x128xi32, #tpu.memory_space<vmem>> -> memref<1x128xi32, #tpu.memory_space<vmem>>
    %dma_wait3A_145 = tpu.memref_squeeze %dma_wait3A_144 : memref<1x128xi32, #tpu.memory_space<vmem>> -> memref<128xi32, #tpu.memory_space<vmem>>
    %dma_wait3A_146 = tpu.memref_slice %arg3[%add3A_8] : memref<16384xi32, #tpu.memory_space<hbm>> -> memref<128xi32, #tpu.memory_space<hbm>>
    tpu.wait_dma2 semaphore(%arg22 : memref<!tpu.dma_semaphore, #tpu.memory_space<semaphore_mem>>) src(%dma_wait3A_146 : memref<128xi32, #tpu.memory_space<hbm>>) dst(%dma_wait3A_145 : memref<128xi32, #tpu.memory_space<vmem>>)
    %dma_wait3A_147 = arith.constant 3 : i32
    %dma_wait3A_148 = arith.constant 0 : i32
    %dma_wait3A_149 = tpu.memref_slice %arg10[%dma_wait3A_147, %dma_wait3A_148] : memref<4x128xi32, #tpu.memory_space<vmem>> -> memref<1x128xi32, #tpu.memory_space<vmem>>
    %dma_wait3A_150 = tpu.memref_squeeze %dma_wait3A_149 : memref<1x128xi32, #tpu.memory_space<vmem>> -> memref<128xi32, #tpu.memory_space<vmem>>
    %dma_wait3A_151 = tpu.memref_slice %arg2[%add3A_10] : memref<16384xi32, #tpu.memory_space<hbm>> -> memref<128xi32, #tpu.memory_space<hbm>>
    %dma_wait3A_152 = arith.constant 0 : i32
    %dma_wait3A_153 = tpu.memref_slice %arg10[%dma_wait3A_147, %dma_wait3A_152] : memref<4x128xi32, #tpu.memory_space<vmem>> -> memref<1x128xi32, #tpu.memory_space<vmem>>
    %dma_wait3A_154 = tpu.memref_squeeze %dma_wait3A_153 : memref<1x128xi32, #tpu.memory_space<vmem>> -> memref<128xi32, #tpu.memory_space<vmem>>
    %dma_wait3A_155 = tpu.memref_slice %arg2[%add3A_10] : memref<16384xi32, #tpu.memory_space<hbm>> -> memref<128xi32, #tpu.memory_space<hbm>>
    tpu.wait_dma2 semaphore(%arg22 : memref<!tpu.dma_semaphore, #tpu.memory_space<semaphore_mem>>) src(%dma_wait3A_155 : memref<128xi32, #tpu.memory_space<hbm>>) dst(%dma_wait3A_154 : memref<128xi32, #tpu.memory_space<vmem>>)
    %dma_wait3A_156 = arith.constant 3 : i32
    %dma_wait3A_157 = arith.constant 0 : i32
    %dma_wait3A_158 = tpu.memref_slice %arg11[%dma_wait3A_156, %dma_wait3A_157] : memref<4x128xi32, #tpu.memory_space<vmem>> -> memref<1x128xi32, #tpu.memory_space<vmem>>
    %dma_wait3A_159 = tpu.memref_squeeze %dma_wait3A_158 : memref<1x128xi32, #tpu.memory_space<vmem>> -> memref<128xi32, #tpu.memory_space<vmem>>
    %dma_wait3A_160 = tpu.memref_slice %arg3[%add3A_10] : memref<16384xi32, #tpu.memory_space<hbm>> -> memref<128xi32, #tpu.memory_space<hbm>>
    %dma_wait3A_161 = arith.constant 0 : i32
    %dma_wait3A_162 = tpu.memref_slice %arg11[%dma_wait3A_156, %dma_wait3A_161] : memref<4x128xi32, #tpu.memory_space<vmem>> -> memref<1x128xi32, #tpu.memory_space<vmem>>
    %dma_wait3A_163 = tpu.memref_squeeze %dma_wait3A_162 : memref<1x128xi32, #tpu.memory_space<vmem>> -> memref<128xi32, #tpu.memory_space<vmem>>
    %dma_wait3A_164 = tpu.memref_slice %arg3[%add3A_10] : memref<16384xi32, #tpu.memory_space<hbm>> -> memref<128xi32, #tpu.memory_space<hbm>>
    tpu.wait_dma2 semaphore(%arg22 : memref<!tpu.dma_semaphore, #tpu.memory_space<semaphore_mem>>) src(%dma_wait3A_164 : memref<128xi32, #tpu.memory_space<hbm>>) dst(%dma_wait3A_163 : memref<128xi32, #tpu.memory_space<vmem>>)
    %get3A = arith.constant 0 : index
    %get3A_165 = tpu.vector_load %arg16[%get3A] {strides = array<i32>} : memref<128xf32, #tpu.memory_space<vmem>>, vector<16xf32>,
    %get3A_166 = vector.shape_cast %get3A_165 : vector<16xf32> to vector<16xf32>
    %get3A_167 = arith.constant 16 : index
    %get3A_168 = tpu.vector_load %arg16[%get3A_167] {strides = array<i32>} : memref<128xf32, #tpu.memory_space<vmem>>, vector<16xf32>,
    %get3A_169 = vector.shape_cast %get3A_168 : vector<16xf32> to vector<16xf32>
    %get3A_170 = arith.constant 32 : index
    %get3A_171 = tpu.vector_load %arg16[%get3A_170] {strides = array<i32>} : memref<128xf32, #tpu.memory_space<vmem>>, vector<16xf32>,
    %get3A_172 = vector.shape_cast %get3A_171 : vector<16xf32> to vector<16xf32>
    %get3A_173 = arith.constant 48 : index
    %get3A_174 = tpu.vector_load %arg16[%get3A_173] {strides = array<i32>} : memref<128xf32, #tpu.memory_space<vmem>>, vector<16xf32>,
    %get3A_175 = vector.shape_cast %get3A_174 : vector<16xf32> to vector<16xf32>
    %get3A_176 = arith.constant 64 : index
    %get3A_177 = tpu.vector_load %arg16[%get3A_176] {strides = array<i32>} : memref<128xf32, #tpu.memory_space<vmem>>, vector<16xf32>,
    %get3A_178 = vector.shape_cast %get3A_177 : vector<16xf32> to vector<16xf32>
    %get3A_179 = arith.constant 80 : index
    %get3A_180 = tpu.vector_load %arg16[%get3A_179] {strides = array<i32>} : memref<128xf32, #tpu.memory_space<vmem>>, vector<16xf32>,
    %get3A_181 = vector.shape_cast %get3A_180 : vector<16xf32> to vector<16xf32>
    %get3A_182 = arith.constant 96 : index
    %get3A_183 = tpu.vector_load %arg16[%get3A_182] {strides = array<i32>} : memref<128xf32, #tpu.memory_space<vmem>>, vector<16xf32>,
    %get3A_184 = vector.shape_cast %get3A_183 : vector<16xf32> to vector<16xf32>
    %get3A_185 = arith.constant 112 : index
    %get3A_186 = tpu.vector_load %arg16[%get3A_185] {strides = array<i32>} : memref<128xf32, #tpu.memory_space<vmem>>, vector<16xf32>,
    %get3A_187 = vector.shape_cast %get3A_186 : vector<16xf32> to vector<16xf32>
    %get3A_188 = arith.constant 0 : index
    %get3A_189 = tpu.vector_load %arg17[%get3A_188] {strides = array<i32>} : memref<16xf32, #tpu.memory_space<vmem>>, vector<16xf32>,
    %get3A_190 = vector.shape_cast %get3A_189 : vector<16xf32> to vector<16xf32>
    %iota3A = tpu.iota {dimensions = array<i32: 0>} : vector<16xi32>
    %add3A_191 = arith.constant 8 : i32
    %add3A_192 = vector.broadcast %add3A_191 : i32 to vector<16xi32>
    %add3A_193 = arith.addi %iota3A, %add3A_192 : vector<16xi32>
    %and3A = arith.constant 15 : i32
    %and3A_194 = vector.broadcast %and3A : i32 to vector<16xi32>
    %and3A_195 = arith.andi %add3A_193, %and3A_194 : vector<16xi32>
    %add3A_196 = arith.constant 4 : i32
    %add3A_197 = vector.broadcast %add3A_196 : i32 to vector<16xi32>
    %add3A_198 = arith.addi %iota3A, %add3A_197 : vector<16xi32>
    %and3A_199 = arith.constant 15 : i32
    %and3A_200 = vector.broadcast %and3A_199 : i32 to vector<16xi32>
    %and3A_201 = arith.andi %add3A_198, %and3A_200 : vector<16xi32>
    %add3A_202 = arith.constant 2 : i32
    %add3A_203 = vector.broadcast %add3A_202 : i32 to vector<16xi32>
    %add3A_204 = arith.addi %iota3A, %add3A_203 : vector<16xi32>
    %and3A_205 = arith.constant 15 : i32
    %and3A_206 = vector.broadcast %and3A_205 : i32 to vector<16xi32>
    %and3A_207 = arith.andi %add3A_204, %and3A_206 : vector<16xi32>
    %add3A_208 = arith.constant 1 : i32
    %add3A_209 = vector.broadcast %add3A_208 : i32 to vector<16xi32>
    %add3A_210 = arith.addi %iota3A, %add3A_209 : vector<16xi32>
    %and3A_211 = arith.constant 15 : i32
    %and3A_212 = vector.broadcast %and3A_211 : i32 to vector<16xi32>
    %and3A_213 = arith.andi %add3A_210, %and3A_212 : vector<16xi32>
    %dma_start3A_214 = arith.constant 0 : i32
    %dma_start3A_215 = arith.constant 0 : i32
    %dma_start3A_216 = arith.constant 0 : i32
    %dma_start3A_217 = tpu.memref_slice %arg13[%dma_start3A_215, %dma_start3A_216] : memref<256x128xf32, #tpu.memory_space<vmem>> -> memref<128x128xf32, #tpu.memory_space<vmem>>
    %dma_start3A_218 = arith.constant 0 : i32
    %dma_start3A_219 = tpu.memref_slice %arg10[%dma_start3A_214, %dma_start3A_218] : memref<4x128xi32, #tpu.memory_space<vmem>> -> memref<1x128xi32, #tpu.memory_space<vmem>>
    %dma_start3A_220 = tpu.memref_squeeze %dma_start3A_219 : memref<1x128xi32, #tpu.memory_space<vmem>> -> memref<128xi32, #tpu.memory_space<vmem>>
    %dma_start3A_221 = arith.constant 0 : i32
    %dma_start3A_222 = arith.constant 0 : i32
    %dma_start3A_223 = tpu.memref_slice %arg5[%dma_start3A_221, %dma_start3A_222] : memref<100000x128xf32, #tpu.memory_space<hbm>> -> memref<100000x128xf32, #tpu.memory_space<hbm>>
    tpu.enqueue_indirect_dma source(%dma_start3A_223 : memref<100000x128xf32, #tpu.memory_space<hbm>>) target(%dma_start3A_217 : memref<128x128xf32, #tpu.memory_space<vmem>>) offsets(%dma_start3A_220 : memref<128xi32, #tpu.memory_space<vmem>>) semaphore(%arg22 : memref<!tpu.dma_semaphore, #tpu.memory_space<semaphore_mem>>)
    %dma_start3A_224 = arith.constant 0 : i32
    %dma_start3A_225 = arith.constant 0 : i32
    %dma_start3A_226 = arith.constant 0 : i32
    %dma_start3A_227 = tpu.memref_slice %arg14[%dma_start3A_225, %dma_start3A_226] : memref<256x128xf32, #tpu.memory_space<vmem>> -> memref<128x128xf32, #tpu.memory_space<vmem>>
    %dma_start3A_228 = arith.constant 0 : i32
    %dma_start3A_229 = tpu.memref_slice %arg11[%dma_start3A_224, %dma_start3A_228] : memref<4x128xi32, #tpu.memory_space<vmem>> -> memref<1x128xi32, #tpu.memory_space<vmem>>
    %dma_start3A_230 = tpu.memref_squeeze %dma_start3A_229 : memref<1x128xi32, #tpu.memory_space<vmem>> -> memref<128xi32, #tpu.memory_space<vmem>>
    %dma_start3A_231 = arith.constant 0 : i32
    %dma_start3A_232 = arith.constant 0 : i32
    %dma_start3A_233 = tpu.memref_slice %arg5[%dma_start3A_231, %dma_start3A_232] : memref<100000x128xf32, #tpu.memory_space<hbm>> -> memref<100000x128xf32, #tpu.memory_space<hbm>>
    tpu.enqueue_indirect_dma source(%dma_start3A_233 : memref<100000x128xf32, #tpu.memory_space<hbm>>) target(%dma_start3A_227 : memref<128x128xf32, #tpu.memory_space<vmem>>) offsets(%dma_start3A_230 : memref<128xi32, #tpu.memory_space<vmem>>) semaphore(%arg22 : memref<!tpu.dma_semaphore, #tpu.memory_space<semaphore_mem>>)
    %dma_start3A_234 = arith.constant 1 : i32
    %dma_start3A_235 = arith.constant 128 : i32
    %dma_start3A_236 = arith.constant 0 : i32
    %dma_start3A_237 = tpu.memref_slice %arg13[%dma_start3A_235, %dma_start3A_236] : memref<256x128xf32, #tpu.memory_space<vmem>> -> memref<128x128xf32, #tpu.memory_space<vmem>>
    %dma_start3A_238 = arith.constant 0 : i32
    %dma_start3A_239 = tpu.memref_slice %arg10[%dma_start3A_234, %dma_start3A_238] : memref<4x128xi32, #tpu.memory_space<vmem>> -> memref<1x128xi32, #tpu.memory_space<vmem>>
    %dma_start3A_240 = tpu.memref_squeeze %dma_start3A_239 : memref<1x128xi32, #tpu.memory_space<vmem>> -> memref<128xi32, #tpu.memory_space<vmem>>
    %dma_start3A_241 = arith.constant 0 : i32
    %dma_start3A_242 = arith.constant 0 : i32
    %dma_start3A_243 = tpu.memref_slice %arg5[%dma_start3A_241, %dma_start3A_242] : memref<100000x128xf32, #tpu.memory_space<hbm>> -> memref<100000x128xf32, #tpu.memory_space<hbm>>
    tpu.enqueue_indirect_dma source(%dma_start3A_243 : memref<100000x128xf32, #tpu.memory_space<hbm>>) target(%dma_start3A_237 : memref<128x128xf32, #tpu.memory_space<vmem>>) offsets(%dma_start3A_240 : memref<128xi32, #tpu.memory_space<vmem>>) semaphore(%arg23 : memref<!tpu.dma_semaphore, #tpu.memory_space<semaphore_mem>>)
    %dma_start3A_244 = arith.constant 1 : i32
    %dma_start3A_245 = arith.constant 128 : i32
    %dma_start3A_246 = arith.constant 0 : i32
    %dma_start3A_247 = tpu.memref_slice %arg14[%dma_start3A_245, %dma_start3A_246] : memref<256x128xf32, #tpu.memory_space<vmem>> -> memref<128x128xf32, #tpu.memory_space<vmem>>
    %dma_start3A_248 = arith.constant 0 : i32
    %dma_start3A_249 = tpu.memref_slice %arg11[%dma_start3A_244, %dma_start3A_248] : memref<4x128xi32, #tpu.memory_space<vmem>> -> memref<1x128xi32, #tpu.memory_space<vmem>>
    %dma_start3A_250 = tpu.memref_squeeze %dma_start3A_249 : memref<1x128xi32, #tpu.memory_space<vmem>> -> memref<128xi32, #tpu.memory_space<vmem>>
    %dma_start3A_251 = arith.constant 0 : i32
    %dma_start3A_252 = arith.constant 0 : i32
    %dma_start3A_253 = tpu.memref_slice %arg5[%dma_start3A_251, %dma_start3A_252] : memref<100000x128xf32, #tpu.memory_space<hbm>> -> memref<100000x128xf32, #tpu.memory_space<hbm>>
    tpu.enqueue_indirect_dma source(%dma_start3A_253 : memref<100000x128xf32, #tpu.memory_space<hbm>>) target(%dma_start3A_247 : memref<128x128xf32, #tpu.memory_space<vmem>>) offsets(%dma_start3A_250 : memref<128xi32, #tpu.memory_space<vmem>>) semaphore(%arg23 : memref<!tpu.dma_semaphore, #tpu.memory_space<semaphore_mem>>)
    %mul3A_254 = arith.constant 8 : i32
    %mul3A_255 = arith.muli %arg1, %mul3A_254 : i32
    %broadcast_in_dim3A = arith.constant 32768 : i32
    %broadcast_in_dim3A_256 = vector.broadcast %broadcast_in_dim3A : i32 to vector<16xi32>
    %broadcast_in_dim3A_257 = arith.constant -65536 : i32
    %broadcast_in_dim3A_258 = vector.broadcast %broadcast_in_dim3A_257 : i32 to vector<16xi32>
    %broadcast_in_dim3A_259 = arith.constant 65535 : i32
    %broadcast_in_dim3A_260 = vector.broadcast %broadcast_in_dim3A_259 : i32 to vector<16xi32>
    %scan3A = arith.constant 0 : i32
    %scan3A_261 = arith.constant 0 : i32
    %scan3A_262 = arith.constant 8 : i32
    %scan3A_263 = arith.addi %scan3A_261, %scan3A_262 : i32
    %scan3A_264 = arith.constant 1 : i32
    %scan3A_265 = scf.for %scan3A_274 = %scan3A_261 to %scan3A_263 step %scan3A_264 iter_args(%scan3A_275 = %scan3A) -> (i32)  : i32 {
      %add3A_276 = arith.addi %mul3A_255, %scan3A_274 : i32
      %min3A = arith.constant 99 : i32
      %min3A_277 = arith.minsi %add3A_276, %min3A : i32
      %get3A_278 = arith.index_cast %min3A_277 : i32 to index
      %get3A_279 = arith.constant 0 : index
      %get3A_280 = tpu.vector_load %arg19[%get3A_278, %get3A_279] {strides = array<i32>} : memref<100x128xf32, #tpu.memory_space<vmem>>, vector<1x16xf32>,
      %get3A_281 = vector.shape_cast %get3A_280 : vector<1x16xf32> to vector<16xf32>
      %get3A_282 = arith.index_cast %min3A_277 : i32 to index
      %get3A_283 = arith.constant 16 : index
      %get3A_284 = tpu.vector_load %arg19[%get3A_282, %get3A_283] {strides = array<i32>} : memref<100x128xf32, #tpu.memory_space<vmem>>, vector<1x16xf32>,
      %get3A_285 = vector.shape_cast %get3A_284 : vector<1x16xf32> to vector<16xf32>
      %neg3A = arith.constant 0.000000e+00 : f32
      %neg3A_286 = vector.broadcast %neg3A : f32 to vector<16xf32>
      %neg3A_287 = arith.subf %neg3A_286, %get3A_281 : vector<16xf32>
      %exp3A = math.exp %neg3A_287 : vector<16xf32>
      %add3A_288 = arith.constant 1.000000e+00 : f32
      %add3A_289 = vector.broadcast %add3A_288 : f32 to vector<16xf32>
      %add3A_290 = arith.addf %add3A_289, %exp3A : vector<16xf32>
      %div3A = arith.constant 1.000000e+00 : f32
      %div3A_291 = vector.broadcast %div3A : f32 to vector<16xf32>
      %div3A_292 = arith.divf %div3A_291, %add3A_290 : vector<16xf32>
      %mul3A_293 = arith.mulf %div3A_292, %get3A_166 : vector<16xf32>
      %neg3A_294 = arith.constant 0.000000e+00 : f32
      %neg3A_295 = vector.broadcast %neg3A_294 : f32 to vector<16xf32>
      %neg3A_296 = arith.subf %neg3A_295, %get3A_285 : vector<16xf32>
      %exp3A_297 = math.exp %neg3A_296 : vector<16xf32>
      %add3A_298 = arith.constant 1.000000e+00 : f32
      %add3A_299 = vector.broadcast %add3A_298 : f32 to vector<16xf32>
      %add3A_300 = arith.addf %add3A_299, %exp3A_297 : vector<16xf32>
      %div3A_301 = arith.constant 1.000000e+00 : f32
      %div3A_302 = vector.broadcast %div3A_301 : f32 to vector<16xf32>
      %div3A_303 = arith.divf %div3A_302, %add3A_300 : vector<16xf32>
      %mul3A_304 = arith.mulf %div3A_303, %get3A_169 : vector<16xf32>
      %bitcast_convert_type3A = tpu.bitcast %mul3A_293 : vector<16xf32> -> vector<16xi32>
      %bitcast_convert_type3A_305 = tpu.bitcast %mul3A_304 : vector<16xf32> -> vector<16xi32>
      %add3A_306 = arith.addi %bitcast_convert_type3A, %broadcast_in_dim3A_256 : vector<16xi32>
      %and3A_307 = arith.andi %add3A_306, %broadcast_in_dim3A_258 : vector<16xi32>
      %add3A_308 = arith.addi %bitcast_convert_type3A_305, %broadcast_in_dim3A_256 : vector<16xi32>
      %shift_right_logical3A = arith.constant 16 : i32
      %shift_right_logical3A_309 = vector.broadcast %shift_right_logical3A : i32 to vector<16xi32>
      %shift_right_logical3A_310 = arith.shrui %add3A_308, %shift_right_logical3A_309 : vector<16xi32>
      %and3A_311 = arith.andi %shift_right_logical3A_310, %broadcast_in_dim3A_260 : vector<16xi32>
      %or3A = arith.ori %and3A_307, %and3A_311 : vector<16xi32>
      %swap3A = arith.index_cast %scan3A_274 : i32 to index
      %swap3A_312 = arith.constant 0 : index
      %swap3A_313 = tpu.vector_load %arg18[%swap3A, %swap3A_312] {strides = array<i32>} : memref<8x128xi32, #tpu.memory_space<vmem>>, vector<1x16xi32>,
      %swap3A_314 = vector.shape_cast %swap3A_313 : vector<1x16xi32> to vector<16xi32>
      %swap3A_315 = vector.shape_cast %or3A : vector<16xi32> to vector<1x16xi32>
      tpu.vector_store %arg18[%swap3A, %swap3A_312], %swap3A_315 {strides = array<i32>} : memref<8x128xi32, #tpu.memory_space<vmem>>, vector<1x16xi32>,
      %get3A_316 = arith.index_cast %min3A_277 : i32 to index
      %get3A_317 = arith.constant 32 : index
      %get3A_318 = tpu.vector_load %arg19[%get3A_316, %get3A_317] {strides = array<i32>} : memref<100x128xf32, #tpu.memory_space<vmem>>, vector<1x16xf32>,
      %get3A_319 = vector.shape_cast %get3A_318 : vector<1x16xf32> to vector<16xf32>
      %get3A_320 = arith.index_cast %min3A_277 : i32 to index
      %get3A_321 = arith.constant 48 : index
      %get3A_322 = tpu.vector_load %arg19[%get3A_320, %get3A_321] {strides = array<i32>} : memref<100x128xf32, #tpu.memory_space<vmem>>, vector<1x16xf32>,
      %get3A_323 = vector.shape_cast %get3A_322 : vector<1x16xf32> to vector<16xf32>
      %neg3A_324 = arith.constant 0.000000e+00 : f32
      %neg3A_325 = vector.broadcast %neg3A_324 : f32 to vector<16xf32>
      %neg3A_326 = arith.subf %neg3A_325, %get3A_319 : vector<16xf32>
      %exp3A_327 = math.exp %neg3A_326 : vector<16xf32>
      %add3A_328 = arith.constant 1.000000e+00 : f32
      %add3A_329 = vector.broadcast %add3A_328 : f32 to vector<16xf32>
      %add3A_330 = arith.addf %add3A_329, %exp3A_327 : vector<16xf32>
      %div3A_331 = arith.constant 1.000000e+00 : f32
      %div3A_332 = vector.broadcast %div3A_331 : f32 to vector<16xf32>
      %div3A_333 = arith.divf %div3A_332, %add3A_330 : vector<16xf32>
      %mul3A_334 = arith.mulf %div3A_333, %get3A_172 : vector<16xf32>
      %neg3A_335 = arith.constant 0.000000e+00 : f32
      %neg3A_336 = vector.broadcast %neg3A_335 : f32 to vector<16xf32>
      %neg3A_337 = arith.subf %neg3A_336, %get3A_323 : vector<16xf32>
      %exp3A_338 = math.exp %neg3A_337 : vector<16xf32>
      %add3A_339 = arith.constant 1.000000e+00 : f32
      %add3A_340 = vector.broadcast %add3A_339 : f32 to vector<16xf32>
      %add3A_341 = arith.addf %add3A_340, %exp3A_338 : vector<16xf32>
      %div3A_342 = arith.constant 1.000000e+00 : f32
      %div3A_343 = vector.broadcast %div3A_342 : f32 to vector<16xf32>
      %div3A_344 = arith.divf %div3A_343, %add3A_341 : vector<16xf32>
      %mul3A_345 = arith.mulf %div3A_344, %get3A_175 : vector<16xf32>
      %bitcast_convert_type3A_346 = tpu.bitcast %mul3A_334 : vector<16xf32> -> vector<16xi32>
      %bitcast_convert_type3A_347 = tpu.bitcast %mul3A_345 : vector<16xf32> -> vector<16xi32>
      %add3A_348 = arith.addi %bitcast_convert_type3A_346, %broadcast_in_dim3A_256 : vector<16xi32>
      %and3A_349 = arith.andi %add3A_348, %broadcast_in_dim3A_258 : vector<16xi32>
      %add3A_350 = arith.addi %bitcast_convert_type3A_347, %broadcast_in_dim3A_256 : vector<16xi32>
      %shift_right_logical3A_351 = arith.constant 16 : i32
      %shift_right_logical3A_352 = vector.broadcast %shift_right_logical3A_351 : i32 to vector<16xi32>
      %shift_right_logical3A_353 = arith.shrui %add3A_350, %shift_right_logical3A_352 : vector<16xi32>
      %and3A_354 = arith.andi %shift_right_logical3A_353, %broadcast_in_dim3A_260 : vector<16xi32>
      %or3A_355 = arith.ori %and3A_349, %and3A_354 : vector<16xi32>
      %swap3A_356 = arith.index_cast %scan3A_274 : i32 to index
      %swap3A_357 = arith.constant 16 : index
      %swap3A_358 = tpu.vector_load %arg18[%swap3A_356, %swap3A_357] {strides = array<i32>} : memref<8x128xi32, #tpu.memory_space<vmem>>, vector<1x16xi32>,
      %swap3A_359 = vector.shape_cast %swap3A_358 : vector<1x16xi32> to vector<16xi32>
      %swap3A_360 = vector.shape_cast %or3A_355 : vector<16xi32> to vector<1x16xi32>
      tpu.vector_store %arg18[%swap3A_356, %swap3A_357], %swap3A_360 {strides = array<i32>} : memref<8x128xi32, #tpu.memory_space<vmem>>, vector<1x16xi32>,
      %get3A_361 = arith.index_cast %min3A_277 : i32 to index
      %get3A_362 = arith.constant 64 : index
      %get3A_363 = tpu.vector_load %arg19[%get3A_361, %get3A_362] {strides = array<i32>} : memref<100x128xf32, #tpu.memory_space<vmem>>, vector<1x16xf32>,
      %get3A_364 = vector.shape_cast %get3A_363 : vector<1x16xf32> to vector<16xf32>
      %get3A_365 = arith.index_cast %min3A_277 : i32 to index
      %get3A_366 = arith.constant 80 : index
      %get3A_367 = tpu.vector_load %arg19[%get3A_365, %get3A_366] {strides = array<i32>} : memref<100x128xf32, #tpu.memory_space<vmem>>, vector<1x16xf32>,
      %get3A_368 = vector.shape_cast %get3A_367 : vector<1x16xf32> to vector<16xf32>
      %neg3A_369 = arith.constant 0.000000e+00 : f32
      %neg3A_370 = vector.broadcast %neg3A_369 : f32 to vector<16xf32>
      %neg3A_371 = arith.subf %neg3A_370, %get3A_364 : vector<16xf32>
      %exp3A_372 = math.exp %neg3A_371 : vector<16xf32>
      %add3A_373 = arith.constant 1.000000e+00 : f32
      %add3A_374 = vector.broadcast %add3A_373 : f32 to vector<16xf32>
      %add3A_375 = arith.addf %add3A_374, %exp3A_372 : vector<16xf32>
      %div3A_376 = arith.constant 1.000000e+00 : f32
      %div3A_377 = vector.broadcast %div3A_376 : f32 to vector<16xf32>
      %div3A_378 = arith.divf %div3A_377, %add3A_375 : vector<16xf32>
      %mul3A_379 = arith.mulf %div3A_378, %get3A_178 : vector<16xf32>
      %neg3A_380 = arith.constant 0.000000e+00 : f32
      %neg3A_381 = vector.broadcast %neg3A_380 : f32 to vector<16xf32>
      %neg3A_382 = arith.subf %neg3A_381, %get3A_368 : vector<16xf32>
      %exp3A_383 = math.exp %neg3A_382 : vector<16xf32>
      %add3A_384 = arith.constant 1.000000e+00 : f32
      %add3A_385 = vector.broadcast %add3A_384 : f32 to vector<16xf32>
      %add3A_386 = arith.addf %add3A_385, %exp3A_383 : vector<16xf32>
      %div3A_387 = arith.constant 1.000000e+00 : f32
      %div3A_388 = vector.broadcast %div3A_387 : f32 to vector<16xf32>
      %div3A_389 = arith.divf %div3A_388, %add3A_386 : vector<16xf32>
      %mul3A_390 = arith.mulf %div3A_389, %get3A_181 : vector<16xf32>
      %bitcast_convert_type3A_391 = tpu.bitcast %mul3A_379 : vector<16xf32> -> vector<16xi32>
      %bitcast_convert_type3A_392 = tpu.bitcast %mul3A_390 : vector<16xf32> -> vector<16xi32>
      %add3A_393 = arith.addi %bitcast_convert_type3A_391, %broadcast_in_dim3A_256 : vector<16xi32>
      %and3A_394 = arith.andi %add3A_393, %broadcast_in_dim3A_258 : vector<16xi32>
      %add3A_395 = arith.addi %bitcast_convert_type3A_392, %broadcast_in_dim3A_256 : vector<16xi32>
      %shift_right_logical3A_396 = arith.constant 16 : i32
      %shift_right_logical3A_397 = vector.broadcast %shift_right_logical3A_396 : i32 to vector<16xi32>
      %shift_right_logical3A_398 = arith.shrui %add3A_395, %shift_right_logical3A_397 : vector<16xi32>
      %and3A_399 = arith.andi %shift_right_logical3A_398, %broadcast_in_dim3A_260 : vector<16xi32>
      %or3A_400 = arith.ori %and3A_394, %and3A_399 : vector<16xi32>
      %swap3A_401 = arith.index_cast %scan3A_274 : i32 to index
      %swap3A_402 = arith.constant 32 : index
      %swap3A_403 = tpu.vector_load %arg18[%swap3A_401, %swap3A_402] {strides = array<i32>} : memref<8x128xi32, #tpu.memory_space<vmem>>, vector<1x16xi32>,
      %swap3A_404 = vector.shape_cast %swap3A_403 : vector<1x16xi32> to vector<16xi32>
      %swap3A_405 = vector.shape_cast %or3A_400 : vector<16xi32> to vector<1x16xi32>
      tpu.vector_store %arg18[%swap3A_401, %swap3A_402], %swap3A_405 {strides = array<i32>} : memref<8x128xi32, #tpu.memory_space<vmem>>, vector<1x16xi32>,
      %get3A_406 = arith.index_cast %min3A_277 : i32 to index
      %get3A_407 = arith.constant 96 : index
      %get3A_408 = tpu.vector_load %arg19[%get3A_406, %get3A_407] {strides = array<i32>} : memref<100x128xf32, #tpu.memory_space<vmem>>, vector<1x16xf32>,
      %get3A_409 = vector.shape_cast %get3A_408 : vector<1x16xf32> to vector<16xf32>
      %get3A_410 = arith.index_cast %min3A_277 : i32 to index
      %get3A_411 = arith.constant 112 : index
      %get3A_412 = tpu.vector_load %arg19[%get3A_410, %get3A_411] {strides = array<i32>} : memref<100x128xf32, #tpu.memory_space<vmem>>, vector<1x16xf32>,
      %get3A_413 = vector.shape_cast %get3A_412 : vector<1x16xf32> to vector<16xf32>
      %neg3A_414 = arith.constant 0.000000e+00 : f32
      %neg3A_415 = vector.broadcast %neg3A_414 : f32 to vector<16xf32>
      %neg3A_416 = arith.subf %neg3A_415, %get3A_409 : vector<16xf32>
      %exp3A_417 = math.exp %neg3A_416 : vector<16xf32>
      %add3A_418 = arith.constant 1.000000e+00 : f32
      %add3A_419 = vector.broadcast %add3A_418 : f32 to vector<16xf32>
      %add3A_420 = arith.addf %add3A_419, %exp3A_417 : vector<16xf32>
      %div3A_421 = arith.constant 1.000000e+00 : f32
      %div3A_422 = vector.broadcast %div3A_421 : f32 to vector<16xf32>
      %div3A_423 = arith.divf %div3A_422, %add3A_420 : vector<16xf32>
      %mul3A_424 = arith.mulf %div3A_423, %get3A_184 : vector<16xf32>
      %neg3A_425 = arith.constant 0.000000e+00 : f32
      %neg3A_426 = vector.broadcast %neg3A_425 : f32 to vector<16xf32>
      %neg3A_427 = arith.subf %neg3A_426, %get3A_413 : vector<16xf32>
      %exp3A_428 = math.exp %neg3A_427 : vector<16xf32>
      %add3A_429 = arith.constant 1.000000e+00 : f32
      %add3A_430 = vector.broadcast %add3A_429 : f32 to vector<16xf32>
      %add3A_431 = arith.addf %add3A_430, %exp3A_428 : vector<16xf32>
      %div3A_432 = arith.constant 1.000000e+00 : f32
      %div3A_433 = vector.broadcast %div3A_432 : f32 to vector<16xf32>
      %div3A_434 = arith.divf %div3A_433, %add3A_431 : vector<16xf32>
      %mul3A_435 = arith.mulf %div3A_434, %get3A_187 : vector<16xf32>
      %bitcast_convert_type3A_436 = tpu.bitcast %mul3A_424 : vector<16xf32> -> vector<16xi32>
      %bitcast_convert_type3A_437 = tpu.bitcast %mul3A_435 : vector<16xf32> -> vector<16xi32>
      %add3A_438 = arith.addi %bitcast_convert_type3A_436, %broadcast_in_dim3A_256 : vector<16xi32>
      %and3A_439 = arith.andi %add3A_438, %broadcast_in_dim3A_258 : vector<16xi32>
      %add3A_440 = arith.addi %bitcast_convert_type3A_437, %broadcast_in_dim3A_256 : vector<16xi32>
      %shift_right_logical3A_441 = arith.constant 16 : i32
      %shift_right_logical3A_442 = vector.broadcast %shift_right_logical3A_441 : i32 to vector<16xi32>
      %shift_right_logical3A_443 = arith.shrui %add3A_440, %shift_right_logical3A_442 : vector<16xi32>
      %and3A_444 = arith.andi %shift_right_logical3A_443, %broadcast_in_dim3A_260 : vector<16xi32>
      %or3A_445 = arith.ori %and3A_439, %and3A_444 : vector<16xi32>
      %swap3A_446 = arith.index_cast %scan3A_274 : i32 to index
      %swap3A_447 = arith.constant 48 : index
      %swap3A_448 = tpu.vector_load %arg18[%swap3A_446, %swap3A_447] {strides = array<i32>} : memref<8x128xi32, #tpu.memory_space<vmem>>, vector<1x16xi32>,
      %swap3A_449 = vector.shape_cast %swap3A_448 : vector<1x16xi32> to vector<16xi32>
      %swap3A_450 = vector.shape_cast %or3A_445 : vector<16xi32> to vector<1x16xi32>
      tpu.vector_store %arg18[%swap3A_446, %swap3A_447], %swap3A_450 {strides = array<i32>} : memref<8x128xi32, #tpu.memory_space<vmem>>, vector<1x16xi32>,
      %scan3A_451 = arith.constant 0 : i32
      scf.yield %scan3A_451 : i32
    }
    %scan3A_266 = arith.constant 8 : i32
    "tpu.region"() ({
      %run_scoped3A = tpu.sem_alloc : memref<!tpu.dma_semaphore, #tpu.memory_space<semaphore_mem>>
      %dma_start3A_274 = arith.constant 0 : i32
      %dma_start3A_275 = tpu.memref_slice %arg21[%mul3A_255, %dma_start3A_274] : memref<128x128xi32, #tpu.memory_space<vmem_shared>> -> memref<8x128xi32, #tpu.memory_space<vmem_shared>>
      %dma_start3A_276 = arith.constant 0 : i32
      %dma_start3A_277 = tpu.memref_slice %arg21[%mul3A_255, %dma_start3A_276] : memref<128x128xi32, #tpu.memory_space<vmem_shared>> -> memref<8x128xi32, #tpu.memory_space<vmem_shared>>
      tpu.enqueue_dma source(%arg18 : memref<8x128xi32, #tpu.memory_space<vmem>>) target(%dma_start3A_277 : memref<8x128xi32, #tpu.memory_space<vmem_shared>>) target_semaphore(%run_scoped3A : memref<!tpu.dma_semaphore, #tpu.memory_space<semaphore_mem>>)
      %dma_wait3A_278 = arith.constant 0 : i32
      %dma_wait3A_279 = tpu.memref_slice %arg21[%mul3A_255, %dma_wait3A_278] : memref<128x128xi32, #tpu.memory_space<vmem_shared>> -> memref<8x128xi32, #tpu.memory_space<vmem_shared>>
      %dma_wait3A_280 = arith.constant 0 : i32
      %dma_wait3A_281 = tpu.memref_slice %arg21[%mul3A_255, %dma_wait3A_280] : memref<128x128xi32, #tpu.memory_space<vmem_shared>> -> memref<8x128xi32, #tpu.memory_space<vmem_shared>>
      tpu.wait_dma2 semaphore(%run_scoped3A : memref<!tpu.dma_semaphore, #tpu.memory_space<semaphore_mem>>) src(%arg18 : memref<8x128xi32, #tpu.memory_space<vmem>>) dst(%dma_wait3A_281 : memref<8x128xi32, #tpu.memory_space<vmem_shared>>)
      tpu.yield
    }) : () -> ()
    %barrier3A = arith.constant 0 : index
    tpu.barrier barrier_id(%barrier3A)
    "tpu.region"() ({
      %run_scoped3A = tpu.sem_alloc : memref<!tpu.dma_semaphore, #tpu.memory_space<semaphore_mem>>
      tpu.enqueue_dma source(%arg21 : memref<128x128xi32, #tpu.memory_space<vmem_shared>>) target(%arg15 : memref<128x128xi32, #tpu.memory_space<vmem>>) target_semaphore(%run_scoped3A : memref<!tpu.dma_semaphore, #tpu.memory_space<semaphore_mem>>)
      tpu.wait_dma2 semaphore(%run_scoped3A : memref<!tpu.dma_semaphore, #tpu.memory_space<semaphore_mem>>) src(%arg21 : memref<128x128xi32, #tpu.memory_space<vmem_shared>>) dst(%arg15 : memref<128x128xi32, #tpu.memory_space<vmem>>)
      tpu.yield
    }) : () -> ()
    %scan3A_267 = arith.constant 0 : i32
    %scan3A_268 = arith.constant 0 : i32
    %scan3A_269 = arith.constant 2 : i32
    %scan3A_270 = arith.addi %scan3A_268, %scan3A_269 : i32
    %scan3A_271 = arith.constant 1 : i32
    %scan3A_272 = scf.for %scan3A_274 = %scan3A_268 to %scan3A_270 step %scan3A_271 iter_args(%scan3A_275 = %scan3A_267) -> (i32)  : i32 {
      %mul3A_276 = arith.constant 2 : i32
      %mul3A_277 = arith.muli %mul3A_276, %scan3A_274 : i32
      %dma_wait3A_278 = arith.constant 0 : i32
      %dma_wait3A_279 = arith.constant 0 : i32
      %dma_wait3A_280 = tpu.memref_slice %arg13[%dma_wait3A_278, %dma_wait3A_279] : memref<256x128xf32, #tpu.memory_space<vmem>> -> memref<128x128xf32, #tpu.memory_space<vmem>>
      %dma_wait3A_281 = arith.constant 0 : i32
      %dma_wait3A_282 = tpu.memref_slice %arg10[%mul3A_277, %dma_wait3A_281] : memref<4x128xi32, #tpu.memory_space<vmem>> -> memref<1x128xi32, #tpu.memory_space<vmem>>
      %dma_wait3A_283 = tpu.memref_squeeze %dma_wait3A_282 : memref<1x128xi32, #tpu.memory_space<vmem>> -> memref<128xi32, #tpu.memory_space<vmem>>
      %dma_wait3A_284 = arith.constant 0 : i32
      %dma_wait3A_285 = arith.constant 0 : i32
      %dma_wait3A_286 = tpu.memref_slice %arg5[%dma_wait3A_284, %dma_wait3A_285] : memref<100000x128xf32, #tpu.memory_space<hbm>> -> memref<100000x128xf32, #tpu.memory_space<hbm>>
      tpu.wait_indirect_dma semaphore(%arg22 : memref<!tpu.dma_semaphore, #tpu.memory_space<semaphore_mem>>) src(%dma_wait3A_286 : memref<100000x128xf32, #tpu.memory_space<hbm>>) dst(%dma_wait3A_280 : memref<128x128xf32, #tpu.memory_space<vmem>>)
      %dma_wait3A_287 = arith.constant 0 : i32
      %dma_wait3A_288 = arith.constant 0 : i32
      %dma_wait3A_289 = tpu.memref_slice %arg14[%dma_wait3A_287, %dma_wait3A_288] : memref<256x128xf32, #tpu.memory_space<vmem>> -> memref<128x128xf32, #tpu.memory_space<vmem>>
      %dma_wait3A_290 = arith.constant 0 : i32
      %dma_wait3A_291 = tpu.memref_slice %arg11[%mul3A_277, %dma_wait3A_290] : memref<4x128xi32, #tpu.memory_space<vmem>> -> memref<1x128xi32, #tpu.memory_space<vmem>>
      %dma_wait3A_292 = tpu.memref_squeeze %dma_wait3A_291 : memref<1x128xi32, #tpu.memory_space<vmem>> -> memref<128xi32, #tpu.memory_space<vmem>>
      %dma_wait3A_293 = arith.constant 0 : i32
      %dma_wait3A_294 = arith.constant 0 : i32
      %dma_wait3A_295 = tpu.memref_slice %arg5[%dma_wait3A_293, %dma_wait3A_294] : memref<100000x128xf32, #tpu.memory_space<hbm>> -> memref<100000x128xf32, #tpu.memory_space<hbm>>
      tpu.wait_indirect_dma semaphore(%arg22 : memref<!tpu.dma_semaphore, #tpu.memory_space<semaphore_mem>>) src(%dma_wait3A_295 : memref<100000x128xf32, #tpu.memory_space<hbm>>) dst(%dma_wait3A_289 : memref<128x128xf32, #tpu.memory_space<vmem>>)
      %scan3A_296 = arith.constant 0 : i32
      %scan3A_297 = arith.constant 0 : i32
      %scan3A_298 = arith.constant 8 : i32
      %scan3A_299 = arith.addi %scan3A_297, %scan3A_298 : i32
      %scan3A_300 = arith.constant 1 : i32
      %scan3A_301 = scf.for %scan3A_344 = %scan3A_297 to %scan3A_299 step %scan3A_300 iter_args(%scan3A_345 = %scan3A_296) -> (i32)  : i32 {
        %broadcast_in_dim3A_346 = arith.constant 0.000000e+00 : f32
        %broadcast_in_dim3A_347 = vector.broadcast %broadcast_in_dim3A_346 : f32 to vector<16xf32>
        %scan3A_348 = arith.constant 0 : i32
        %scan3A_349 = arith.constant 16 : i32
        %scan3A_350 = arith.addi %scan3A_348, %scan3A_349 : i32
        %scan3A_351 = arith.constant 1 : i32
        %scan3A_352 = scf.for %scan3A_371 = %scan3A_348 to %scan3A_350 step %scan3A_351 iter_args(%scan3A_372 = %broadcast_in_dim3A_347) -> (vector<16xf32>)  : i32 {
          %mul3A_373 = arith.constant 16 : i32
          %mul3A_374 = arith.muli %scan3A_344, %mul3A_373 : i32
          %add3A_375 = arith.constant 0 : i32
          %add3A_376 = arith.addi %add3A_375, %mul3A_374 : i32
          %add3A_377 = arith.addi %add3A_376, %scan3A_371 : i32
          %mul3A_378 = arith.constant 128 : i32
          %mul3A_379 = arith.muli %mul3A_277, %mul3A_378 : i32
          %mul3A_380 = arith.constant 16 : i32
          %mul3A_381 = arith.muli %scan3A_344, %mul3A_380 : i32
          %add3A_382 = arith.addi %mul3A_379, %mul3A_381 : i32
          %add3A_383 = arith.addi %add3A_382, %scan3A_371 : i32
          %get3A_384 = arith.index_cast %add3A_383 : i32 to index
          %get3A_385 = tpu.vector_load %arg12[%get3A_384] {strides = array<i32>} : memref<528xi32, #tpu.memory_space<vmem>>, vector<16xi32>,
          %get3A_386 = vector.shape_cast %get3A_385 : vector<16xi32> to vector<16xi32>
          %slice3A = vector.extract_strided_slice %get3A_386 {offsets = [0], sizes = [1], strides = [1]} : vector<16xi32> to vector<1xi32>
          %squeeze3A = vector.extract %slice3A[0] : i32 from vector<1xi32>
          %broadcast_in_dim3A_387 = arith.constant 0.000000e+00 : f32
          %broadcast_in_dim3A_388 = vector.broadcast %broadcast_in_dim3A_387 : f32 to vector<16xf32>
          %get3A_389 = arith.index_cast %squeeze3A : i32 to index
          %get3A_390 = arith.constant 0 : index
          %get3A_391 = tpu.vector_load %arg15[%get3A_389, %get3A_390] {strides = array<i32>} : memref<128x128xi32, #tpu.memory_space<vmem>>, vector<1x16xi32>,
          %get3A_392 = vector.shape_cast %get3A_391 : vector<1x16xi32> to vector<16xi32>
          %and3A_393 = arith.andi %get3A_392, %broadcast_in_dim3A_258 : vector<16xi32>
          %bitcast_convert_type3A = tpu.bitcast %and3A_393 : vector<16xi32> -> vector<16xf32>
          %shift_left3A = arith.constant 16 : i32
          %shift_left3A_394 = vector.broadcast %shift_left3A : i32 to vector<16xi32>
          %shift_left3A_395 = arith.shli %get3A_392, %shift_left3A_394 : vector<16xi32>
          %bitcast_convert_type3A_396 = tpu.bitcast %shift_left3A_395 : vector<16xi32> -> vector<16xf32>
          %get3A_397 = arith.index_cast %add3A_377 : i32 to index
          %get3A_398 = arith.constant 0 : index
          %get3A_399 = tpu.vector_load %arg13[%get3A_397, %get3A_398] {strides = array<i32>} : memref<256x128xf32, #tpu.memory_space<vmem>>, vector<1x16xf32>,
          %get3A_400 = vector.shape_cast %get3A_399 : vector<1x16xf32> to vector<16xf32>
          %get3A_401 = arith.index_cast %add3A_377 : i32 to index
          %get3A_402 = arith.constant 0 : index
          %get3A_403 = tpu.vector_load %arg14[%get3A_401, %get3A_402] {strides = array<i32>} : memref<256x128xf32, #tpu.memory_space<vmem>>, vector<1x16xf32>,
          %get3A_404 = vector.shape_cast %get3A_403 : vector<1x16xf32> to vector<16xf32>
          %get3A_405 = arith.index_cast %add3A_377 : i32 to index
          %get3A_406 = arith.constant 16 : index
          %get3A_407 = tpu.vector_load %arg13[%get3A_405, %get3A_406] {strides = array<i32>} : memref<256x128xf32, #tpu.memory_space<vmem>>, vector<1x16xf32>,
          %get3A_408 = vector.shape_cast %get3A_407 : vector<1x16xf32> to vector<16xf32>
          %get3A_409 = arith.index_cast %add3A_377 : i32 to index
          %get3A_410 = arith.constant 16 : index
          %get3A_411 = tpu.vector_load %arg14[%get3A_409, %get3A_410] {strides = array<i32>} : memref<256x128xf32, #tpu.memory_space<vmem>>, vector<1x16xf32>,
          %get3A_412 = vector.shape_cast %get3A_411 : vector<1x16xf32> to vector<16xf32>
          %mul3A_413 = arith.mulf %get3A_400, %get3A_404 : vector<16xf32>
          %mul3A_414 = arith.mulf %mul3A_413, %bitcast_convert_type3A : vector<16xf32>
          %add3A_415 = arith.addf %broadcast_in_dim3A_388, %mul3A_414 : vector<16xf32>
          %mul3A_416 = arith.mulf %get3A_408, %get3A_412 : vector<16xf32>
          %mul3A_417 = arith.mulf %mul3A_416, %bitcast_convert_type3A_396 : vector<16xf32>
          %add3A_418 = arith.addf %add3A_415, %mul3A_417 : vector<16xf32>
          %get3A_419 = arith.index_cast %squeeze3A : i32 to index
          %get3A_420 = arith.constant 16 : index
          %get3A_421 = tpu.vector_load %arg15[%get3A_419, %get3A_420] {strides = array<i32>} : memref<128x128xi32, #tpu.memory_space<vmem>>, vector<1x16xi32>,
          %get3A_422 = vector.shape_cast %get3A_421 : vector<1x16xi32> to vector<16xi32>
          %and3A_423 = arith.andi %get3A_422, %broadcast_in_dim3A_258 : vector<16xi32>
          %bitcast_convert_type3A_424 = tpu.bitcast %and3A_423 : vector<16xi32> -> vector<16xf32>
          %shift_left3A_425 = arith.constant 16 : i32
          %shift_left3A_426 = vector.broadcast %shift_left3A_425 : i32 to vector<16xi32>
          %shift_left3A_427 = arith.shli %get3A_422, %shift_left3A_426 : vector<16xi32>
          %bitcast_convert_type3A_428 = tpu.bitcast %shift_left3A_427 : vector<16xi32> -> vector<16xf32>
          %get3A_429 = arith.index_cast %add3A_377 : i32 to index
          %get3A_430 = arith.constant 32 : index
          %get3A_431 = tpu.vector_load %arg13[%get3A_429, %get3A_430] {strides = array<i32>} : memref<256x128xf32, #tpu.memory_space<vmem>>, vector<1x16xf32>,
          %get3A_432 = vector.shape_cast %get3A_431 : vector<1x16xf32> to vector<16xf32>
          %get3A_433 = arith.index_cast %add3A_377 : i32 to index
          %get3A_434 = arith.constant 32 : index
          %get3A_435 = tpu.vector_load %arg14[%get3A_433, %get3A_434] {strides = array<i32>} : memref<256x128xf32, #tpu.memory_space<vmem>>, vector<1x16xf32>,
          %get3A_436 = vector.shape_cast %get3A_435 : vector<1x16xf32> to vector<16xf32>
          %get3A_437 = arith.index_cast %add3A_377 : i32 to index
          %get3A_438 = arith.constant 48 : index
          %get3A_439 = tpu.vector_load %arg13[%get3A_437, %get3A_438] {strides = array<i32>} : memref<256x128xf32, #tpu.memory_space<vmem>>, vector<1x16xf32>,
          %get3A_440 = vector.shape_cast %get3A_439 : vector<1x16xf32> to vector<16xf32>
          %get3A_441 = arith.index_cast %add3A_377 : i32 to index
          %get3A_442 = arith.constant 48 : index
          %get3A_443 = tpu.vector_load %arg14[%get3A_441, %get3A_442] {strides = array<i32>} : memref<256x128xf32, #tpu.memory_space<vmem>>, vector<1x16xf32>,
          %get3A_444 = vector.shape_cast %get3A_443 : vector<1x16xf32> to vector<16xf32>
          %mul3A_445 = arith.mulf %get3A_432, %get3A_436 : vector<16xf32>
          %mul3A_446 = arith.mulf %mul3A_445, %bitcast_convert_type3A_424 : vector<16xf32>
          %add3A_447 = arith.addf %add3A_418, %mul3A_446 : vector<16xf32>
          %mul3A_448 = arith.mulf %get3A_440, %get3A_444 : vector<16xf32>
          %mul3A_449 = arith.mulf %mul3A_448, %bitcast_convert_type3A_428 : vector<16xf32>
          %add3A_450 = arith.addf %add3A_447, %mul3A_449 : vector<16xf32>
          %get3A_451 = arith.index_cast %squeeze3A : i32 to index
          %get3A_452 = arith.constant 32 : index
          %get3A_453 = tpu.vector_load %arg15[%get3A_451, %get3A_452] {strides = array<i32>} : memref<128x128xi32, #tpu.memory_space<vmem>>, vector<1x16xi32>,
          %get3A_454 = vector.shape_cast %get3A_453 : vector<1x16xi32> to vector<16xi32>
          %and3A_455 = arith.andi %get3A_454, %broadcast_in_dim3A_258 : vector<16xi32>
          %bitcast_convert_type3A_456 = tpu.bitcast %and3A_455 : vector<16xi32> -> vector<16xf32>
          %shift_left3A_457 = arith.constant 16 : i32
          %shift_left3A_458 = vector.broadcast %shift_left3A_457 : i32 to vector<16xi32>
          %shift_left3A_459 = arith.shli %get3A_454, %shift_left3A_458 : vector<16xi32>
          %bitcast_convert_type3A_460 = tpu.bitcast %shift_left3A_459 : vector<16xi32> -> vector<16xf32>
          %get3A_461 = arith.index_cast %add3A_377 : i32 to index
          %get3A_462 = arith.constant 64 : index
          %get3A_463 = tpu.vector_load %arg13[%get3A_461, %get3A_462] {strides = array<i32>} : memref<256x128xf32, #tpu.memory_space<vmem>>, vector<1x16xf32>,
          %get3A_464 = vector.shape_cast %get3A_463 : vector<1x16xf32> to vector<16xf32>
          %get3A_465 = arith.index_cast %add3A_377 : i32 to index
          %get3A_466 = arith.constant 64 : index
          %get3A_467 = tpu.vector_load %arg14[%get3A_465, %get3A_466] {strides = array<i32>} : memref<256x128xf32, #tpu.memory_space<vmem>>, vector<1x16xf32>,
          %get3A_468 = vector.shape_cast %get3A_467 : vector<1x16xf32> to vector<16xf32>
          %get3A_469 = arith.index_cast %add3A_377 : i32 to index
          %get3A_470 = arith.constant 80 : index
          %get3A_471 = tpu.vector_load %arg13[%get3A_469, %get3A_470] {strides = array<i32>} : memref<256x128xf32, #tpu.memory_space<vmem>>, vector<1x16xf32>,
          %get3A_472 = vector.shape_cast %get3A_471 : vector<1x16xf32> to vector<16xf32>
          %get3A_473 = arith.index_cast %add3A_377 : i32 to index
          %get3A_474 = arith.constant 80 : index
          %get3A_475 = tpu.vector_load %arg14[%get3A_473, %get3A_474] {strides = array<i32>} : memref<256x128xf32, #tpu.memory_space<vmem>>, vector<1x16xf32>,
          %get3A_476 = vector.shape_cast %get3A_475 : vector<1x16xf32> to vector<16xf32>
          %mul3A_477 = arith.mulf %get3A_464, %get3A_468 : vector<16xf32>
          %mul3A_478 = arith.mulf %mul3A_477, %bitcast_convert_type3A_456 : vector<16xf32>
          %add3A_479 = arith.addf %add3A_450, %mul3A_478 : vector<16xf32>
          %mul3A_480 = arith.mulf %get3A_472, %get3A_476 : vector<16xf32>
          %mul3A_481 = arith.mulf %mul3A_480, %bitcast_convert_type3A_460 : vector<16xf32>
          %add3A_482 = arith.addf %add3A_479, %mul3A_481 : vector<16xf32>
          %get3A_483 = arith.index_cast %squeeze3A : i32 to index
          %get3A_484 = arith.constant 48 : index
          %get3A_485 = tpu.vector_load %arg15[%get3A_483, %get3A_484] {strides = array<i32>} : memref<128x128xi32, #tpu.memory_space<vmem>>, vector<1x16xi32>,
          %get3A_486 = vector.shape_cast %get3A_485 : vector<1x16xi32> to vector<16xi32>
          %and3A_487 = arith.andi %get3A_486, %broadcast_in_dim3A_258 : vector<16xi32>
          %bitcast_convert_type3A_488 = tpu.bitcast %and3A_487 : vector<16xi32> -> vector<16xf32>
          %shift_left3A_489 = arith.constant 16 : i32
          %shift_left3A_490 = vector.broadcast %shift_left3A_489 : i32 to vector<16xi32>
          %shift_left3A_491 = arith.shli %get3A_486, %shift_left3A_490 : vector<16xi32>
          %bitcast_convert_type3A_492 = tpu.bitcast %shift_left3A_491 : vector<16xi32> -> vector<16xf32>
          %get3A_493 = arith.index_cast %add3A_377 : i32 to index
          %get3A_494 = arith.constant 96 : index
          %get3A_495 = tpu.vector_load %arg13[%get3A_493, %get3A_494] {strides = array<i32>} : memref<256x128xf32, #tpu.memory_space<vmem>>, vector<1x16xf32>,
          %get3A_496 = vector.shape_cast %get3A_495 : vector<1x16xf32> to vector<16xf32>
          %get3A_497 = arith.index_cast %add3A_377 : i32 to index
          %get3A_498 = arith.constant 96 : index
          %get3A_499 = tpu.vector_load %arg14[%get3A_497, %get3A_498] {strides = array<i32>} : memref<256x128xf32, #tpu.memory_space<vmem>>, vector<1x16xf32>,
          %get3A_500 = vector.shape_cast %get3A_499 : vector<1x16xf32> to vector<16xf32>
          %get3A_501 = arith.index_cast %add3A_377 : i32 to index
          %get3A_502 = arith.constant 112 : index
          %get3A_503 = tpu.vector_load %arg13[%get3A_501, %get3A_502] {strides = array<i32>} : memref<256x128xf32, #tpu.memory_space<vmem>>, vector<1x16xf32>,
          %get3A_504 = vector.shape_cast %get3A_503 : vector<1x16xf32> to vector<16xf32>
          %get3A_505 = arith.index_cast %add3A_377 : i32 to index
          %get3A_506 = arith.constant 112 : index
          %get3A_507 = tpu.vector_load %arg14[%get3A_505, %get3A_506] {strides = array<i32>} : memref<256x128xf32, #tpu.memory_space<vmem>>, vector<1x16xf32>,
          %get3A_508 = vector.shape_cast %get3A_507 : vector<1x16xf32> to vector<16xf32>
          %mul3A_509 = arith.mulf %get3A_496, %get3A_500 : vector<16xf32>
          %mul3A_510 = arith.mulf %mul3A_509, %bitcast_convert_type3A_488 : vector<16xf32>
          %add3A_511 = arith.addf %add3A_482, %mul3A_510 : vector<16xf32>
          %mul3A_512 = arith.mulf %get3A_504, %get3A_508 : vector<16xf32>
          %mul3A_513 = arith.mulf %mul3A_512, %bitcast_convert_type3A_492 : vector<16xf32>
          %add3A_514 = arith.addf %add3A_511, %mul3A_513 : vector<16xf32>
          %broadcast_in_dim3A_515 = vector.shape_cast %and3A_195 : vector<16xi32> to vector<16x1xi32>
          %gather3A = vector.shape_cast %broadcast_in_dim3A_515 : vector<16x1xi32> to vector<16xi32>
          %gather3A_516 = tpu.dynamic_gather %add3A_514[%gather3A] in [0] : vector<16xf32>, vector<16xi32> -> vector<16xf32>
          %add3A_517 = arith.addf %add3A_514, %gather3A_516 : vector<16xf32>
          %broadcast_in_dim3A_518 = vector.shape_cast %and3A_201 : vector<16xi32> to vector<16x1xi32>
          %gather3A_519 = vector.shape_cast %broadcast_in_dim3A_518 : vector<16x1xi32> to vector<16xi32>
          %gather3A_520 = tpu.dynamic_gather %add3A_517[%gather3A_519] in [0] : vector<16xf32>, vector<16xi32> -> vector<16xf32>
          %add3A_521 = arith.addf %add3A_517, %gather3A_520 : vector<16xf32>
          %broadcast_in_dim3A_522 = vector.shape_cast %and3A_207 : vector<16xi32> to vector<16x1xi32>
          %gather3A_523 = vector.shape_cast %broadcast_in_dim3A_522 : vector<16x1xi32> to vector<16xi32>
          %gather3A_524 = tpu.dynamic_gather %add3A_521[%gather3A_523] in [0] : vector<16xf32>, vector<16xi32> -> vector<16xf32>
          %add3A_525 = arith.addf %add3A_521, %gather3A_524 : vector<16xf32>
          %broadcast_in_dim3A_526 = vector.shape_cast %and3A_213 : vector<16xi32> to vector<16x1xi32>
          %gather3A_527 = vector.shape_cast %broadcast_in_dim3A_526 : vector<16x1xi32> to vector<16xi32>
          %gather3A_528 = tpu.dynamic_gather %add3A_525[%gather3A_527] in [0] : vector<16xf32>, vector<16xi32> -> vector<16xf32>
          %add3A_529 = arith.addf %add3A_525, %gather3A_528 : vector<16xf32>
          %eq3A = vector.broadcast %scan3A_371 : i32 to vector<16xi32>
          %eq3A_530 = arith.cmpi eq, %iota3A, %eq3A : vector<16xi32>
          %select_n3A = arith.select %eq3A_530, %add3A_529, %scan3A_372 : vector<16xi1>, vector<16xf32>
          scf.yield %select_n3A : vector<16xf32>
        }
        %scan3A_353 = arith.constant 16 : i32
        %add3A_354 = arith.addf %scan3A_352, %get3A_190 : vector<16xf32>
        %neg3A = arith.constant 0.000000e+00 : f32
        %neg3A_355 = vector.broadcast %neg3A : f32 to vector<16xf32>
        %neg3A_356 = arith.subf %neg3A_355, %add3A_354 : vector<16xf32>
        %exp3A = math.exp %neg3A_356 : vector<16xf32>
        %add3A_357 = arith.constant 1.000000e+00 : f32
        %add3A_358 = vector.broadcast %add3A_357 : f32 to vector<16xf32>
        %add3A_359 = arith.addf %add3A_358, %exp3A : vector<16xf32>
        %div3A = arith.constant 1.000000e+00 : f32
        %div3A_360 = vector.broadcast %div3A : f32 to vector<16xf32>
        %div3A_361 = arith.divf %div3A_360, %add3A_359 : vector<16xf32>
        %mul3A_362 = arith.constant 128 : i32
        %mul3A_363 = arith.muli %mul3A_277, %mul3A_362 : i32
        %mul3A_364 = arith.constant 16 : i32
        %mul3A_365 = arith.muli %scan3A_344, %mul3A_364 : i32
        %add3A_366 = arith.addi %mul3A_363, %mul3A_365 : i32
        %swap3A = arith.index_cast %add3A_366 : i32 to index
        %swap3A_367 = tpu.vector_load %arg20[%swap3A] {strides = array<i32>} : memref<512xf32, #tpu.memory_space<vmem>>, vector<16xf32>,
        %swap3A_368 = vector.shape_cast %swap3A_367 : vector<16xf32> to vector<16xf32>
        %swap3A_369 = vector.shape_cast %div3A_361 : vector<16xf32> to vector<16xf32>
        tpu.vector_store %arg20[%swap3A], %swap3A_369 {strides = array<i32>} : memref<512xf32, #tpu.memory_space<vmem>>, vector<16xf32>,
        %scan3A_370 = arith.constant 0 : i32
        scf.yield %scan3A_370 : i32
      }
      %scan3A_302 = arith.constant 8 : i32
      %add3A_303 = arith.constant 2 : i32
      %add3A_304 = arith.addi %mul3A_277, %add3A_303 : i32
      %lt3A = arith.constant 4 : i32
      %lt3A_305 = arith.cmpi slt, %add3A_304, %lt3A : i32
      %convert_element_type3A = arith.extui %lt3A_305 : i1 to i32
      %cond3A = arith.constant 0 : i32
      %cond3A_306 = arith.cmpi ne, %convert_element_type3A, %cond3A : i32
      scf.if %cond3A_306 {
        %add3A_344 = arith.constant 2 : i32
        %add3A_345 = arith.addi %mul3A_277, %add3A_344 : i32
        %dma_start3A_346 = arith.constant 0 : i32
        %dma_start3A_347 = arith.constant 0 : i32
        %dma_start3A_348 = tpu.memref_slice %arg13[%dma_start3A_346, %dma_start3A_347] : memref<256x128xf32, #tpu.memory_space<vmem>> -> memref<128x128xf32, #tpu.memory_space<vmem>>
        %dma_start3A_349 = arith.constant 0 : i32
        %dma_start3A_350 = tpu.memref_slice %arg10[%add3A_345, %dma_start3A_349] : memref<4x128xi32, #tpu.memory_space<vmem>> -> memref<1x128xi32, #tpu.memory_space<vmem>>
        %dma_start3A_351 = tpu.memref_squeeze %dma_start3A_350 : memref<1x128xi32, #tpu.memory_space<vmem>> -> memref<128xi32, #tpu.memory_space<vmem>>
        %dma_start3A_352 = arith.constant 0 : i32
        %dma_start3A_353 = arith.constant 0 : i32
        %dma_start3A_354 = tpu.memref_slice %arg5[%dma_start3A_352, %dma_start3A_353] : memref<100000x128xf32, #tpu.memory_space<hbm>> -> memref<100000x128xf32, #tpu.memory_space<hbm>>
        tpu.enqueue_indirect_dma source(%dma_start3A_354 : memref<100000x128xf32, #tpu.memory_space<hbm>>) target(%dma_start3A_348 : memref<128x128xf32, #tpu.memory_space<vmem>>) offsets(%dma_start3A_351 : memref<128xi32, #tpu.memory_space<vmem>>) semaphore(%arg22 : memref<!tpu.dma_semaphore, #tpu.memory_space<semaphore_mem>>)
        %dma_start3A_355 = arith.constant 0 : i32
        %dma_start3A_356 = arith.constant 0 : i32
        %dma_start3A_357 = tpu.memref_slice %arg14[%dma_start3A_355, %dma_start3A_356] : memref<256x128xf32, #tpu.memory_space<vmem>> -> memref<128x128xf32, #tpu.memory_space<vmem>>
        %dma_start3A_358 = arith.constant 0 : i32
        %dma_start3A_359 = tpu.memref_slice %arg11[%add3A_345, %dma_start3A_358] : memref<4x128xi32, #tpu.memory_space<vmem>> -> memref<1x128xi32, #tpu.memory_space<vmem>>
        %dma_start3A_360 = tpu.memref_squeeze %dma_start3A_359 : memref<1x128xi32, #tpu.memory_space<vmem>> -> memref<128xi32, #tpu.memory_space<vmem>>
        %dma_start3A_361 = arith.constant 0 : i32
        %dma_start3A_362 = arith.constant 0 : i32
        %dma_start3A_363 = tpu.memref_slice %arg5[%dma_start3A_361, %dma_start3A_362] : memref<100000x128xf32, #tpu.memory_space<hbm>> -> memref<100000x128xf32, #tpu.memory_space<hbm>>
        tpu.enqueue_indirect_dma source(%dma_start3A_363 : memref<100000x128xf32, #tpu.memory_space<hbm>>) target(%dma_start3A_357 : memref<128x128xf32, #tpu.memory_space<vmem>>) offsets(%dma_start3A_360 : memref<128xi32, #tpu.memory_space<vmem>>) semaphore(%arg22 : memref<!tpu.dma_semaphore, #tpu.memory_space<semaphore_mem>>)
      } else {
      }
      %mul3A_307 = arith.constant 2 : i32
      %mul3A_308 = arith.muli %mul3A_307, %scan3A_274 : i32
      %add3A_309 = arith.constant 1 : i32
      %add3A_310 = arith.addi %mul3A_308, %add3A_309 : i32
      %dma_wait3A_311 = arith.constant 128 : i32
      %dma_wait3A_312 = arith.constant 0 : i32
      %dma_wait3A_313 = tpu.memref_slice %arg13[%dma_wait3A_311, %dma_wait3A_312] : memref<256x128xf32, #tpu.memory_space<vmem>> -> memref<128x128xf32, #tpu.memory_space<vmem>>
      %dma_wait3A_314 = arith.constant 0 : i32
      %dma_wait3A_315 = tpu.memref_slice %arg10[%add3A_310, %dma_wait3A_314] : memref<4x128xi32, #tpu.memory_space<vmem>> -> memref<1x128xi32, #tpu.memory_space<vmem>>
      %dma_wait3A_316 = tpu.memref_squeeze %dma_wait3A_315 : memref<1x128xi32, #tpu.memory_space<vmem>> -> memref<128xi32, #tpu.memory_space<vmem>>
      %dma_wait3A_317 = arith.constant 0 : i32
      %dma_wait3A_318 = arith.constant 0 : i32
      %dma_wait3A_319 = tpu.memref_slice %arg5[%dma_wait3A_317, %dma_wait3A_318] : memref<100000x128xf32, #tpu.memory_space<hbm>> -> memref<100000x128xf32, #tpu.memory_space<hbm>>
      tpu.wait_indirect_dma semaphore(%arg23 : memref<!tpu.dma_semaphore, #tpu.memory_space<semaphore_mem>>) src(%dma_wait3A_319 : memref<100000x128xf32, #tpu.memory_space<hbm>>) dst(%dma_wait3A_313 : memref<128x128xf32, #tpu.memory_space<vmem>>)
      %dma_wait3A_320 = arith.constant 128 : i32
      %dma_wait3A_321 = arith.constant 0 : i32
      %dma_wait3A_322 = tpu.memref_slice %arg14[%dma_wait3A_320, %dma_wait3A_321] : memref<256x128xf32, #tpu.memory_space<vmem>> -> memref<128x128xf32, #tpu.memory_space<vmem>>
      %dma_wait3A_323 = arith.constant 0 : i32
      %dma_wait3A_324 = tpu.memref_slice %arg11[%add3A_310, %dma_wait3A_323] : memref<4x128xi32, #tpu.memory_space<vmem>> -> memref<1x128xi32, #tpu.memory_space<vmem>>
      %dma_wait3A_325 = tpu.memref_squeeze %dma_wait3A_324 : memref<1x128xi32, #tpu.memory_space<vmem>> -> memref<128xi32, #tpu.memory_space<vmem>>
      %dma_wait3A_326 = arith.constant 0 : i32
      %dma_wait3A_327 = arith.constant 0 : i32
      %dma_wait3A_328 = tpu.memref_slice %arg5[%dma_wait3A_326, %dma_wait3A_327] : memref<100000x128xf32, #tpu.memory_space<hbm>> -> memref<100000x128xf32, #tpu.memory_space<hbm>>
      tpu.wait_indirect_dma semaphore(%arg23 : memref<!tpu.dma_semaphore, #tpu.memory_space<semaphore_mem>>) src(%dma_wait3A_328 : memref<100000x128xf32, #tpu.memory_space<hbm>>) dst(%dma_wait3A_322 : memref<128x128xf32, #tpu.memory_space<vmem>>)
      %scan3A_329 = arith.constant 0 : i32
      %scan3A_330 = arith.constant 0 : i32
      %scan3A_331 = arith.constant 8 : i32
      %scan3A_332 = arith.addi %scan3A_330, %scan3A_331 : i32
      %scan3A_333 = arith.constant 1 : i32
      %scan3A_334 = scf.for %scan3A_344 = %scan3A_330 to %scan3A_332 step %scan3A_333 iter_args(%scan3A_345 = %scan3A_329) -> (i32)  : i32 {
        %broadcast_in_dim3A_346 = arith.constant 0.000000e+00 : f32
        %broadcast_in_dim3A_347 = vector.broadcast %broadcast_in_dim3A_346 : f32 to vector<16xf32>
        %scan3A_348 = arith.constant 0 : i32
        %scan3A_349 = arith.constant 16 : i32
        %scan3A_350 = arith.addi %scan3A_348, %scan3A_349 : i32
        %scan3A_351 = arith.constant 1 : i32
        %scan3A_352 = scf.for %scan3A_371 = %scan3A_348 to %scan3A_350 step %scan3A_351 iter_args(%scan3A_372 = %broadcast_in_dim3A_347) -> (vector<16xf32>)  : i32 {
          %mul3A_373 = arith.constant 16 : i32
          %mul3A_374 = arith.muli %scan3A_344, %mul3A_373 : i32
          %add3A_375 = arith.constant 128 : i32
          %add3A_376 = arith.addi %add3A_375, %mul3A_374 : i32
          %add3A_377 = arith.addi %add3A_376, %scan3A_371 : i32
          %mul3A_378 = arith.constant 128 : i32
          %mul3A_379 = arith.muli %add3A_310, %mul3A_378 : i32
          %mul3A_380 = arith.constant 16 : i32
          %mul3A_381 = arith.muli %scan3A_344, %mul3A_380 : i32
          %add3A_382 = arith.addi %mul3A_379, %mul3A_381 : i32
          %add3A_383 = arith.addi %add3A_382, %scan3A_371 : i32
          %get3A_384 = arith.index_cast %add3A_383 : i32 to index
          %get3A_385 = tpu.vector_load %arg12[%get3A_384] {strides = array<i32>} : memref<528xi32, #tpu.memory_space<vmem>>, vector<16xi32>,
          %get3A_386 = vector.shape_cast %get3A_385 : vector<16xi32> to vector<16xi32>
          %slice3A = vector.extract_strided_slice %get3A_386 {offsets = [0], sizes = [1], strides = [1]} : vector<16xi32> to vector<1xi32>
          %squeeze3A = vector.extract %slice3A[0] : i32 from vector<1xi32>
          %broadcast_in_dim3A_387 = arith.constant 0.000000e+00 : f32
          %broadcast_in_dim3A_388 = vector.broadcast %broadcast_in_dim3A_387 : f32 to vector<16xf32>
          %get3A_389 = arith.index_cast %squeeze3A : i32 to index
          %get3A_390 = arith.constant 0 : index
          %get3A_391 = tpu.vector_load %arg15[%get3A_389, %get3A_390] {strides = array<i32>} : memref<128x128xi32, #tpu.memory_space<vmem>>, vector<1x16xi32>,
          %get3A_392 = vector.shape_cast %get3A_391 : vector<1x16xi32> to vector<16xi32>
          %and3A_393 = arith.andi %get3A_392, %broadcast_in_dim3A_258 : vector<16xi32>
          %bitcast_convert_type3A = tpu.bitcast %and3A_393 : vector<16xi32> -> vector<16xf32>
          %shift_left3A = arith.constant 16 : i32
          %shift_left3A_394 = vector.broadcast %shift_left3A : i32 to vector<16xi32>
          %shift_left3A_395 = arith.shli %get3A_392, %shift_left3A_394 : vector<16xi32>
          %bitcast_convert_type3A_396 = tpu.bitcast %shift_left3A_395 : vector<16xi32> -> vector<16xf32>
          %get3A_397 = arith.index_cast %add3A_377 : i32 to index
          %get3A_398 = arith.constant 0 : index
          %get3A_399 = tpu.vector_load %arg13[%get3A_397, %get3A_398] {strides = array<i32>} : memref<256x128xf32, #tpu.memory_space<vmem>>, vector<1x16xf32>,
          %get3A_400 = vector.shape_cast %get3A_399 : vector<1x16xf32> to vector<16xf32>
          %get3A_401 = arith.index_cast %add3A_377 : i32 to index
          %get3A_402 = arith.constant 0 : index
          %get3A_403 = tpu.vector_load %arg14[%get3A_401, %get3A_402] {strides = array<i32>} : memref<256x128xf32, #tpu.memory_space<vmem>>, vector<1x16xf32>,
          %get3A_404 = vector.shape_cast %get3A_403 : vector<1x16xf32> to vector<16xf32>
          %get3A_405 = arith.index_cast %add3A_377 : i32 to index
          %get3A_406 = arith.constant 16 : index
          %get3A_407 = tpu.vector_load %arg13[%get3A_405, %get3A_406] {strides = array<i32>} : memref<256x128xf32, #tpu.memory_space<vmem>>, vector<1x16xf32>,
          %get3A_408 = vector.shape_cast %get3A_407 : vector<1x16xf32> to vector<16xf32>
          %get3A_409 = arith.index_cast %add3A_377 : i32 to index
          %get3A_410 = arith.constant 16 : index
          %get3A_411 = tpu.vector_load %arg14[%get3A_409, %get3A_410] {strides = array<i32>} : memref<256x128xf32, #tpu.memory_space<vmem>>, vector<1x16xf32>,
          %get3A_412 = vector.shape_cast %get3A_411 : vector<1x16xf32> to vector<16xf32>
          %mul3A_413 = arith.mulf %get3A_400, %get3A_404 : vector<16xf32>
          %mul3A_414 = arith.mulf %mul3A_413, %bitcast_convert_type3A : vector<16xf32>
          %add3A_415 = arith.addf %broadcast_in_dim3A_388, %mul3A_414 : vector<16xf32>
          %mul3A_416 = arith.mulf %get3A_408, %get3A_412 : vector<16xf32>
          %mul3A_417 = arith.mulf %mul3A_416, %bitcast_convert_type3A_396 : vector<16xf32>
          %add3A_418 = arith.addf %add3A_415, %mul3A_417 : vector<16xf32>
          %get3A_419 = arith.index_cast %squeeze3A : i32 to index
          %get3A_420 = arith.constant 16 : index
          %get3A_421 = tpu.vector_load %arg15[%get3A_419, %get3A_420] {strides = array<i32>} : memref<128x128xi32, #tpu.memory_space<vmem>>, vector<1x16xi32>,
          %get3A_422 = vector.shape_cast %get3A_421 : vector<1x16xi32> to vector<16xi32>
          %and3A_423 = arith.andi %get3A_422, %broadcast_in_dim3A_258 : vector<16xi32>
          %bitcast_convert_type3A_424 = tpu.bitcast %and3A_423 : vector<16xi32> -> vector<16xf32>
          %shift_left3A_425 = arith.constant 16 : i32
          %shift_left3A_426 = vector.broadcast %shift_left3A_425 : i32 to vector<16xi32>
          %shift_left3A_427 = arith.shli %get3A_422, %shift_left3A_426 : vector<16xi32>
          %bitcast_convert_type3A_428 = tpu.bitcast %shift_left3A_427 : vector<16xi32> -> vector<16xf32>
          %get3A_429 = arith.index_cast %add3A_377 : i32 to index
          %get3A_430 = arith.constant 32 : index
          %get3A_431 = tpu.vector_load %arg13[%get3A_429, %get3A_430] {strides = array<i32>} : memref<256x128xf32, #tpu.memory_space<vmem>>, vector<1x16xf32>,
          %get3A_432 = vector.shape_cast %get3A_431 : vector<1x16xf32> to vector<16xf32>
          %get3A_433 = arith.index_cast %add3A_377 : i32 to index
          %get3A_434 = arith.constant 32 : index
          %get3A_435 = tpu.vector_load %arg14[%get3A_433, %get3A_434] {strides = array<i32>} : memref<256x128xf32, #tpu.memory_space<vmem>>, vector<1x16xf32>,
          %get3A_436 = vector.shape_cast %get3A_435 : vector<1x16xf32> to vector<16xf32>
          %get3A_437 = arith.index_cast %add3A_377 : i32 to index
          %get3A_438 = arith.constant 48 : index
          %get3A_439 = tpu.vector_load %arg13[%get3A_437, %get3A_438] {strides = array<i32>} : memref<256x128xf32, #tpu.memory_space<vmem>>, vector<1x16xf32>,
          %get3A_440 = vector.shape_cast %get3A_439 : vector<1x16xf32> to vector<16xf32>
          %get3A_441 = arith.index_cast %add3A_377 : i32 to index
          %get3A_442 = arith.constant 48 : index
          %get3A_443 = tpu.vector_load %arg14[%get3A_441, %get3A_442] {strides = array<i32>} : memref<256x128xf32, #tpu.memory_space<vmem>>, vector<1x16xf32>,
          %get3A_444 = vector.shape_cast %get3A_443 : vector<1x16xf32> to vector<16xf32>
          %mul3A_445 = arith.mulf %get3A_432, %get3A_436 : vector<16xf32>
          %mul3A_446 = arith.mulf %mul3A_445, %bitcast_convert_type3A_424 : vector<16xf32>
          %add3A_447 = arith.addf %add3A_418, %mul3A_446 : vector<16xf32>
          %mul3A_448 = arith.mulf %get3A_440, %get3A_444 : vector<16xf32>
          %mul3A_449 = arith.mulf %mul3A_448, %bitcast_convert_type3A_428 : vector<16xf32>
          %add3A_450 = arith.addf %add3A_447, %mul3A_449 : vector<16xf32>
          %get3A_451 = arith.index_cast %squeeze3A : i32 to index
          %get3A_452 = arith.constant 32 : index
          %get3A_453 = tpu.vector_load %arg15[%get3A_451, %get3A_452] {strides = array<i32>} : memref<128x128xi32, #tpu.memory_space<vmem>>, vector<1x16xi32>,
          %get3A_454 = vector.shape_cast %get3A_453 : vector<1x16xi32> to vector<16xi32>
          %and3A_455 = arith.andi %get3A_454, %broadcast_in_dim3A_258 : vector<16xi32>
          %bitcast_convert_type3A_456 = tpu.bitcast %and3A_455 : vector<16xi32> -> vector<16xf32>
          %shift_left3A_457 = arith.constant 16 : i32
          %shift_left3A_458 = vector.broadcast %shift_left3A_457 : i32 to vector<16xi32>
          %shift_left3A_459 = arith.shli %get3A_454, %shift_left3A_458 : vector<16xi32>
          %bitcast_convert_type3A_460 = tpu.bitcast %shift_left3A_459 : vector<16xi32> -> vector<16xf32>
          %get3A_461 = arith.index_cast %add3A_377 : i32 to index
          %get3A_462 = arith.constant 64 : index
          %get3A_463 = tpu.vector_load %arg13[%get3A_461, %get3A_462] {strides = array<i32>} : memref<256x128xf32, #tpu.memory_space<vmem>>, vector<1x16xf32>,
          %get3A_464 = vector.shape_cast %get3A_463 : vector<1x16xf32> to vector<16xf32>
          %get3A_465 = arith.index_cast %add3A_377 : i32 to index
          %get3A_466 = arith.constant 64 : index
          %get3A_467 = tpu.vector_load %arg14[%get3A_465, %get3A_466] {strides = array<i32>} : memref<256x128xf32, #tpu.memory_space<vmem>>, vector<1x16xf32>,
          %get3A_468 = vector.shape_cast %get3A_467 : vector<1x16xf32> to vector<16xf32>
          %get3A_469 = arith.index_cast %add3A_377 : i32 to index
          %get3A_470 = arith.constant 80 : index
          %get3A_471 = tpu.vector_load %arg13[%get3A_469, %get3A_470] {strides = array<i32>} : memref<256x128xf32, #tpu.memory_space<vmem>>, vector<1x16xf32>,
          %get3A_472 = vector.shape_cast %get3A_471 : vector<1x16xf32> to vector<16xf32>
          %get3A_473 = arith.index_cast %add3A_377 : i32 to index
          %get3A_474 = arith.constant 80 : index
          %get3A_475 = tpu.vector_load %arg14[%get3A_473, %get3A_474] {strides = array<i32>} : memref<256x128xf32, #tpu.memory_space<vmem>>, vector<1x16xf32>,
          %get3A_476 = vector.shape_cast %get3A_475 : vector<1x16xf32> to vector<16xf32>
          %mul3A_477 = arith.mulf %get3A_464, %get3A_468 : vector<16xf32>
          %mul3A_478 = arith.mulf %mul3A_477, %bitcast_convert_type3A_456 : vector<16xf32>
          %add3A_479 = arith.addf %add3A_450, %mul3A_478 : vector<16xf32>
          %mul3A_480 = arith.mulf %get3A_472, %get3A_476 : vector<16xf32>
          %mul3A_481 = arith.mulf %mul3A_480, %bitcast_convert_type3A_460 : vector<16xf32>
          %add3A_482 = arith.addf %add3A_479, %mul3A_481 : vector<16xf32>
          %get3A_483 = arith.index_cast %squeeze3A : i32 to index
          %get3A_484 = arith.constant 48 : index
          %get3A_485 = tpu.vector_load %arg15[%get3A_483, %get3A_484] {strides = array<i32>} : memref<128x128xi32, #tpu.memory_space<vmem>>, vector<1x16xi32>,
          %get3A_486 = vector.shape_cast %get3A_485 : vector<1x16xi32> to vector<16xi32>
          %and3A_487 = arith.andi %get3A_486, %broadcast_in_dim3A_258 : vector<16xi32>
          %bitcast_convert_type3A_488 = tpu.bitcast %and3A_487 : vector<16xi32> -> vector<16xf32>
          %shift_left3A_489 = arith.constant 16 : i32
          %shift_left3A_490 = vector.broadcast %shift_left3A_489 : i32 to vector<16xi32>
          %shift_left3A_491 = arith.shli %get3A_486, %shift_left3A_490 : vector<16xi32>
          %bitcast_convert_type3A_492 = tpu.bitcast %shift_left3A_491 : vector<16xi32> -> vector<16xf32>
          %get3A_493 = arith.index_cast %add3A_377 : i32 to index
          %get3A_494 = arith.constant 96 : index
          %get3A_495 = tpu.vector_load %arg13[%get3A_493, %get3A_494] {strides = array<i32>} : memref<256x128xf32, #tpu.memory_space<vmem>>, vector<1x16xf32>,
          %get3A_496 = vector.shape_cast %get3A_495 : vector<1x16xf32> to vector<16xf32>
          %get3A_497 = arith.index_cast %add3A_377 : i32 to index
          %get3A_498 = arith.constant 96 : index
          %get3A_499 = tpu.vector_load %arg14[%get3A_497, %get3A_498] {strides = array<i32>} : memref<256x128xf32, #tpu.memory_space<vmem>>, vector<1x16xf32>,
          %get3A_500 = vector.shape_cast %get3A_499 : vector<1x16xf32> to vector<16xf32>
          %get3A_501 = arith.index_cast %add3A_377 : i32 to index
          %get3A_502 = arith.constant 112 : index
          %get3A_503 = tpu.vector_load %arg13[%get3A_501, %get3A_502] {strides = array<i32>} : memref<256x128xf32, #tpu.memory_space<vmem>>, vector<1x16xf32>,
          %get3A_504 = vector.shape_cast %get3A_503 : vector<1x16xf32> to vector<16xf32>
          %get3A_505 = arith.index_cast %add3A_377 : i32 to index
          %get3A_506 = arith.constant 112 : index
          %get3A_507 = tpu.vector_load %arg14[%get3A_505, %get3A_506] {strides = array<i32>} : memref<256x128xf32, #tpu.memory_space<vmem>>, vector<1x16xf32>,
          %get3A_508 = vector.shape_cast %get3A_507 : vector<1x16xf32> to vector<16xf32>
          %mul3A_509 = arith.mulf %get3A_496, %get3A_500 : vector<16xf32>
          %mul3A_510 = arith.mulf %mul3A_509, %bitcast_convert_type3A_488 : vector<16xf32>
          %add3A_511 = arith.addf %add3A_482, %mul3A_510 : vector<16xf32>
          %mul3A_512 = arith.mulf %get3A_504, %get3A_508 : vector<16xf32>
          %mul3A_513 = arith.mulf %mul3A_512, %bitcast_convert_type3A_492 : vector<16xf32>
          %add3A_514 = arith.addf %add3A_511, %mul3A_513 : vector<16xf32>
          %broadcast_in_dim3A_515 = vector.shape_cast %and3A_195 : vector<16xi32> to vector<16x1xi32>
          %gather3A = vector.shape_cast %broadcast_in_dim3A_515 : vector<16x1xi32> to vector<16xi32>
          %gather3A_516 = tpu.dynamic_gather %add3A_514[%gather3A] in [0] : vector<16xf32>, vector<16xi32> -> vector<16xf32>
          %add3A_517 = arith.addf %add3A_514, %gather3A_516 : vector<16xf32>
          %broadcast_in_dim3A_518 = vector.shape_cast %and3A_201 : vector<16xi32> to vector<16x1xi32>
          %gather3A_519 = vector.shape_cast %broadcast_in_dim3A_518 : vector<16x1xi32> to vector<16xi32>
          %gather3A_520 = tpu.dynamic_gather %add3A_517[%gather3A_519] in [0] : vector<16xf32>, vector<16xi32> -> vector<16xf32>
          %add3A_521 = arith.addf %add3A_517, %gather3A_520 : vector<16xf32>
          %broadcast_in_dim3A_522 = vector.shape_cast %and3A_207 : vector<16xi32> to vector<16x1xi32>
          %gather3A_523 = vector.shape_cast %broadcast_in_dim3A_522 : vector<16x1xi32> to vector<16xi32>
          %gather3A_524 = tpu.dynamic_gather %add3A_521[%gather3A_523] in [0] : vector<16xf32>, vector<16xi32> -> vector<16xf32>
          %add3A_525 = arith.addf %add3A_521, %gather3A_524 : vector<16xf32>
          %broadcast_in_dim3A_526 = vector.shape_cast %and3A_213 : vector<16xi32> to vector<16x1xi32>
          %gather3A_527 = vector.shape_cast %broadcast_in_dim3A_526 : vector<16x1xi32> to vector<16xi32>
          %gather3A_528 = tpu.dynamic_gather %add3A_525[%gather3A_527] in [0] : vector<16xf32>, vector<16xi32> -> vector<16xf32>
          %add3A_529 = arith.addf %add3A_525, %gather3A_528 : vector<16xf32>
          %eq3A = vector.broadcast %scan3A_371 : i32 to vector<16xi32>
          %eq3A_530 = arith.cmpi eq, %iota3A, %eq3A : vector<16xi32>
          %select_n3A = arith.select %eq3A_530, %add3A_529, %scan3A_372 : vector<16xi1>, vector<16xf32>
          scf.yield %select_n3A : vector<16xf32>
        }
        %scan3A_353 = arith.constant 16 : i32
        %add3A_354 = arith.addf %scan3A_352, %get3A_190 : vector<16xf32>
        %neg3A = arith.constant 0.000000e+00 : f32
        %neg3A_355 = vector.broadcast %neg3A : f32 to vector<16xf32>
        %neg3A_356 = arith.subf %neg3A_355, %add3A_354 : vector<16xf32>
        %exp3A = math.exp %neg3A_356 : vector<16xf32>
        %add3A_357 = arith.constant 1.000000e+00 : f32
        %add3A_358 = vector.broadcast %add3A_357 : f32 to vector<16xf32>
        %add3A_359 = arith.addf %add3A_358, %exp3A : vector<16xf32>
        %div3A = arith.constant 1.000000e+00 : f32
        %div3A_360 = vector.broadcast %div3A : f32 to vector<16xf32>
        %div3A_361 = arith.divf %div3A_360, %add3A_359 : vector<16xf32>
        %mul3A_362 = arith.constant 128 : i32
        %mul3A_363 = arith.muli %add3A_310, %mul3A_362 : i32
        %mul3A_364 = arith.constant 16 : i32
        %mul3A_365 = arith.muli %scan3A_344, %mul3A_364 : i32
        %add3A_366 = arith.addi %mul3A_363, %mul3A_365 : i32
        %swap3A = arith.index_cast %add3A_366 : i32 to index
        %swap3A_367 = tpu.vector_load %arg20[%swap3A] {strides = array<i32>} : memref<512xf32, #tpu.memory_space<vmem>>, vector<16xf32>,
        %swap3A_368 = vector.shape_cast %swap3A_367 : vector<16xf32> to vector<16xf32>
        %swap3A_369 = vector.shape_cast %div3A_361 : vector<16xf32> to vector<16xf32>
        tpu.vector_store %arg20[%swap3A], %swap3A_369 {strides = array<i32>} : memref<512xf32, #tpu.memory_space<vmem>>, vector<16xf32>,
        %scan3A_370 = arith.constant 0 : i32
        scf.yield %scan3A_370 : i32
      }
      %scan3A_335 = arith.constant 8 : i32
      %add3A_336 = arith.constant 2 : i32
      %add3A_337 = arith.addi %add3A_310, %add3A_336 : i32
      %lt3A_338 = arith.constant 4 : i32
      %lt3A_339 = arith.cmpi slt, %add3A_337, %lt3A_338 : i32
      %convert_element_type3A_340 = arith.extui %lt3A_339 : i1 to i32
      %cond3A_341 = arith.constant 0 : i32
      %cond3A_342 = arith.cmpi ne, %convert_element_type3A_340, %cond3A_341 : i32
      scf.if %cond3A_342 {
        %add3A_344 = arith.constant 2 : i32
        %add3A_345 = arith.addi %add3A_310, %add3A_344 : i32
        %dma_start3A_346 = arith.constant 128 : i32
        %dma_start3A_347 = arith.constant 0 : i32
        %dma_start3A_348 = tpu.memref_slice %arg13[%dma_start3A_346, %dma_start3A_347] : memref<256x128xf32, #tpu.memory_space<vmem>> -> memref<128x128xf32, #tpu.memory_space<vmem>>
        %dma_start3A_349 = arith.constant 0 : i32
        %dma_start3A_350 = tpu.memref_slice %arg10[%add3A_345, %dma_start3A_349] : memref<4x128xi32, #tpu.memory_space<vmem>> -> memref<1x128xi32, #tpu.memory_space<vmem>>
        %dma_start3A_351 = tpu.memref_squeeze %dma_start3A_350 : memref<1x128xi32, #tpu.memory_space<vmem>> -> memref<128xi32, #tpu.memory_space<vmem>>
        %dma_start3A_352 = arith.constant 0 : i32
        %dma_start3A_353 = arith.constant 0 : i32
        %dma_start3A_354 = tpu.memref_slice %arg5[%dma_start3A_352, %dma_start3A_353] : memref<100000x128xf32, #tpu.memory_space<hbm>> -> memref<100000x128xf32, #tpu.memory_space<hbm>>
        tpu.enqueue_indirect_dma source(%dma_start3A_354 : memref<100000x128xf32, #tpu.memory_space<hbm>>) target(%dma_start3A_348 : memref<128x128xf32, #tpu.memory_space<vmem>>) offsets(%dma_start3A_351 : memref<128xi32, #tpu.memory_space<vmem>>) semaphore(%arg23 : memref<!tpu.dma_semaphore, #tpu.memory_space<semaphore_mem>>)
        %dma_start3A_355 = arith.constant 128 : i32
        %dma_start3A_356 = arith.constant 0 : i32
        %dma_start3A_357 = tpu.memref_slice %arg14[%dma_start3A_355, %dma_start3A_356] : memref<256x128xf32, #tpu.memory_space<vmem>> -> memref<128x128xf32, #tpu.memory_space<vmem>>
        %dma_start3A_358 = arith.constant 0 : i32
        %dma_start3A_359 = tpu.memref_slice %arg11[%add3A_345, %dma_start3A_358] : memref<4x128xi32, #tpu.memory_space<vmem>> -> memref<1x128xi32, #tpu.memory_space<vmem>>
        %dma_start3A_360 = tpu.memref_squeeze %dma_start3A_359 : memref<1x128xi32, #tpu.memory_space<vmem>> -> memref<128xi32, #tpu.memory_space<vmem>>
        %dma_start3A_361 = arith.constant 0 : i32
        %dma_start3A_362 = arith.constant 0 : i32
        %dma_start3A_363 = tpu.memref_slice %arg5[%dma_start3A_361, %dma_start3A_362] : memref<100000x128xf32, #tpu.memory_space<hbm>> -> memref<100000x128xf32, #tpu.memory_space<hbm>>
        tpu.enqueue_indirect_dma source(%dma_start3A_363 : memref<100000x128xf32, #tpu.memory_space<hbm>>) target(%dma_start3A_357 : memref<128x128xf32, #tpu.memory_space<vmem>>) offsets(%dma_start3A_360 : memref<128xi32, #tpu.memory_space<vmem>>) semaphore(%arg23 : memref<!tpu.dma_semaphore, #tpu.memory_space<semaphore_mem>>)
      } else {
      }
      %scan3A_343 = arith.constant 0 : i32
      scf.yield %scan3A_343 : i32
    }
    %scan3A_273 = arith.constant 2 : i32
    "tpu.region"() ({
      %run_scoped3A = tpu.sem_alloc : memref<!tpu.dma_semaphore, #tpu.memory_space<semaphore_mem>>
      %dma_start3A_274 = tpu.memref_slice %arg9[%mul3A_2] : memref<16384xf32, #tpu.memory_space<hbm>> -> memref<512xf32, #tpu.memory_space<hbm>>
      %dma_start3A_275 = tpu.memref_slice %arg9[%mul3A_2] : memref<16384xf32, #tpu.memory_space<hbm>> -> memref<512xf32, #tpu.memory_space<hbm>>
      tpu.enqueue_dma source(%arg20 : memref<512xf32, #tpu.memory_space<vmem>>) target(%dma_start3A_275 : memref<512xf32, #tpu.memory_space<hbm>>) target_semaphore(%run_scoped3A : memref<!tpu.dma_semaphore, #tpu.memory_space<semaphore_mem>>)
      %dma_wait3A_276 = tpu.memref_slice %arg9[%mul3A_2] : memref<16384xf32, #tpu.memory_space<hbm>> -> memref<512xf32, #tpu.memory_space<hbm>>
      %dma_wait3A_277 = tpu.memref_slice %arg9[%mul3A_2] : memref<16384xf32, #tpu.memory_space<hbm>> -> memref<512xf32, #tpu.memory_space<hbm>>
      tpu.wait_dma2 semaphore(%run_scoped3A : memref<!tpu.dma_semaphore, #tpu.memory_space<semaphore_mem>>) src(%arg20 : memref<512xf32, #tpu.memory_space<vmem>>) dst(%dma_wait3A_277 : memref<512xf32, #tpu.memory_space<hbm>>)
      tpu.yield
    }) : () -> ()
    return
  }
}

</mosaic_0001>

<sc_bundles>
// kernel: _hin2vec_sc.3.cloned.1.call-start
scs
__scs_entry_jumppad:
0x0: {  	(pc) =	sbr.rel $0x88, $3  }
0x1: {  	(tag) =	ssettag $0x0;
	lr =	simm.s32 $0x1  }
0x2: {  	[smem:$0x3F9A] =	sst lr;
	_ =	strace $0xD0000000  }
0x3: {  	_ = 	snop  }
0x4: {  	_ = 	snop  }
0x5: {  	_ = 	snop  }
0x6: {  	_ = 	snop  }
0x7: {  	_ = 	snop  }
__scs_overlays_trampoline_lowered:
0x8: {  	[smem:$0x3FA9] =	sst s0  }
0x9: {  	[smem:$0x3FAA] =	sst s1  }
0xa: {  	[smem:$0x3FAB] =	sst s2  }
0xb: {  	[smem:$0x3FAC] =	sst s3  }
0xc: {  	[smem:$0x3FAD] =	sst s4  }
0xd: {  	[smem:$0x3FAE] =	sst s5  }
0xe: {  	[smem:$0x3FAF] =	sst s6  }
0xf: {  	[smem:$0x3FB0] =	sst s7  }
0x10: {  	[smem:$0x3FB1] =	sst s8  }
0x11: {  	[smem:$0x3FB2] =	sst s9;
	s0 =	simm.s32 @!p0 $0x0  }
0x12: {  	s1 =	sld [smem:$0x3F98];
	s0 =	simm.s32 @p0 $0x1  }
0x13: {  	[smem:$0x3FB3] =	sst s0;
	s0 =	simm.s32 @!p1 $0x0  }
0x14: {  	s2 =	sld [smem:$0x3F97];
	s0 =	simm.s32 @p1 $0x1  }
0x15: {  	[smem:$0x3FB4] =	sst s0;
	s0 =	simm.s32 @!p2 $0x0  }
0x16: {  	s3 =	sld [smem:$0x3FDB];
	s0 =	simm.s32 @p2 $0x1  }
0x17: {  	s4 =	simm.s32 $0x1BF5;
	[smem:$0x3FB6] =	sst s0  }
0x18: {  	s0 =	sld [smem:$0x3F99];
	_ =	swait.ge [sflag:s4], $0x0  }
0x19: {  	s7 =	sld [smem:$0x3F9A]  }
0x1a: {  	s8 =	sadd.s32 $0xFFFFE003, lr  }
0x1b: {  	s9 =	sadd.s32 $0xFFFFFEF7, lr;
	s5 =	simm.s32 $0xFFFFFFFF;
	p2 =	slt.u32 s8, $0xFFFFF086  }
0x1c: {  	p1 =	slt.u32 s9, $0xF7A;
	s5 =	simm.s32 @!p2 $0x0  }
0x1d: {  	s5 =	simm.s32 @p1 $0x1;
	p0 =	seq.s32 s7, s2  }
0x1e: {  	s7 =	smul.u32 @!p0 $0xF7A, s2;
	p2 =	seq.s32 @!p0 s5, $0x0  }
0x1f: {  	s9 =	smul.u32 $0xF7A, s1;
	s8 =	simm.s32 @!p0 $0x1BF5;
	p2 =	por !p2, p0  }
0x20: {  	[sflag:s8] =	ssyncset.s32 @!p0 $0xFFFFF086;
	s6 =	sadd.s32 @!p0 s3, s7;
	s7 =	simm.s32 @!p0 $0x108  }
0x21: {  	s3 =	sadd.s32 s3, s9;
	s6 =	sadd.s32 @!p0 $0x88, s6;
	s7 =	simm.s32 @p2 $0x1082  }
0x22: {  	[simem:s7], [sflag:s8] =	dma.local @!p0 [hbm:s6], $0xF7A  }
0x23: {  	s9 =	sor.u32 $0xD0000000, s2;
	s6 =	simm.s32 $0x108;
	_ =	swait.ge @!p0 [sflag:s8], $0x0  }
0x24: {  	s3 =	sadd.s32 $0x88, s3;
	s6 =	simm.s32 @!p1 $0x1082;
	[sflag:s4] =	ssyncset.s32 $0xFFFFF086  }
0x25: {  	[simem:s6], [sflag:s4] =	dma.local [hbm:s3], $0xF7A  }
0x26: {  	[smem:$0x3F9A] =	sst s1;
	(tag) =	ssettag s2;
	_ =	strace s9  }
0x27: {  	s1 =	sld [smem:$0x3FAA]  }
0x28: {  	s2 =	sld [smem:$0x3FAB]  }
0x29: {  	s4 =	sld [smem:$0x3FAD]  }
0x2a: {  	p0 =	seq.s32 s5, $0x0;
	s5 =	sld [smem:$0x3FAE]  }
0x2b: {  	s6 =	sld [smem:$0x3FAF]  }
0x2c: {  	s7 =	sld [smem:$0x3FB0]  }
0x2d: {  	s3 =	simm.s32 $0x108;
	s8 =	sld [smem:$0x3FB1]  }
0x2e: {  	s3 =	simm.s32 @!p0 $0x1082;
	s9 =	sld [smem:$0x3FB2]  }
0x2f: {  	lr =	sadd.s32 s0, s3;
	s0 =	sld [smem:$0x3FA9]  }
0x30: {  	s3 =	sld [smem:$0x3FAC]  }
0x31: {  	[smem:$0x3FB5] =	sst s10  }
0x32: {  	s10 =	sld [smem:$0x3FB3];
	_ =	sdelay $0x3  }
0x33: {  	p0 =	seq.s32 s10, $0x1;
	s10 =	sld [smem:$0x3FB5];
	_ =	sdelay $0x3  }
0x34: {  	[smem:$0x3FB5] =	sst s10  }
0x35: {  	s10 =	sld [smem:$0x3FB4];
	_ =	sdelay $0x3  }
0x36: {  	p1 =	seq.s32 s10, $0x1;
	s10 =	sld [smem:$0x3FB5];
	_ =	sdelay $0x3  }
0x37: {  	[smem:$0x3FB5] =	sst s10  }
0x38: {  	s10 =	sld [smem:$0x3FB6]  }
0x39: {  	_ = 	snop;
	(pc) =	sbr.ind lr, $3  }
0x3a: {  	_ = 	snop  }
0x3b: {  	_ = 	snop  }
0x3c: {  	p2 =	seq.s32 s10, $0x1;
	s10 =	sld [smem:$0x3FB5]  }
0x3d: {  	_ =	shalt  }
0x3e: {  	_ =	shalt  }
0x3f: {  	_ =	shalt  }
0x40: {  	_ =	shalt  }
0x41: {  	_ =	shalt  }
0x42: {  	_ =	shalt  }
0x43: {  	_ =	shalt  }
0x44: {  	_ =	shalt  }
0x45: {  	_ =	shalt  }
0x46: {  	_ =	shalt  }
0x47: {  	_ =	shalt  }
0x48: {  	_ =	shalt  }
0x49: {  	_ =	shalt  }
0x4a: {  	_ =	shalt  }
0x4b: {  	_ =	shalt  }
0x4c: {  	_ =	shalt  }
0x4d: {  	_ =	shalt  }
0x4e: {  	_ =	shalt  }
0x4f: {  	_ =	shalt  }
0x50: {  	_ =	shalt  }
0x51: {  	_ =	shalt  }
0x52: {  	_ =	shalt  }
0x53: {  	_ =	shalt  }
0x54: {  	_ =	shalt  }
0x55: {  	_ =	shalt  }
0x56: {  	_ =	shalt  }
0x57: {  	_ =	shalt  }
0x58: {  	_ =	shalt  }
0x59: {  	_ =	shalt  }
0x5a: {  	_ =	shalt  }
0x5b: {  	_ =	shalt  }
0x5c: {  	_ =	shalt  }
0x5d: {  	_ =	shalt  }
0x5e: {  	_ =	shalt  }
0x5f: {  	_ =	shalt  }
0x60: {  	_ =	shalt  }
0x61: {  	_ =	shalt  }
0x62: {  	_ =	shalt  }
0x63: {  	_ =	shalt  }
0x64: {  	_ =	shalt  }
0x65: {  	_ =	shalt  }
0x66: {  	_ =	shalt  }
0x67: {  	_ =	shalt  }
0x68: {  	_ =	shalt  }
0x69: {  	_ =	shalt  }
0x6a: {  	_ =	shalt  }
0x6b: {  	_ =	shalt  }
0x6c: {  	_ =	shalt  }
0x6d: {  	_ =	shalt  }
0x6e: {  	_ =	shalt  }
0x6f: {  	_ =	shalt  }
0x70: {  	_ =	shalt  }
0x71: {  	_ =	shalt  }
0x72: {  	_ =	shalt  }
0x73: {  	_ =	shalt  }
0x74: {  	_ =	shalt  }
0x75: {  	_ =	shalt  }
0x76: {  	_ =	shalt  }
0x77: {  	_ =	shalt  }
0x78: {  	_ =	shalt  }
0x79: {  	_ =	shalt  }
0x7a: {  	_ =	shalt  }
0x7b: {  	_ =	shalt  }
0x7c: {  	_ =	shalt  }
0x7d: {  	_ =	shalt  }
0x7e: {  	_ =	shalt  }
0x7f: {  	_ =	shalt  }
0x80: {  	_ =	shalt  }
0x81: {  	_ =	shalt  }
0x82: {  	_ =	shalt  }
0x83: {  	_ =	shalt  }
0x84: {  	_ =	shalt  }
0x85: {  	_ =	shalt  }
0x86: {  	_ =	shalt  }
0x87: {  	_ =	shalt  }
.Lfunc_end0:
.L_simem_size_0:
called_computation_lowered:
.L_overlay_start_0:
0x88: {  	s2 =	sld [smem:$0x3FD9]  }
0x89: {  	s3 =	sld [smem:$0x3FFE];
	_ =	sdelay $0x1  }
0x8a: {  	s1 =	srdreg.scid  }
0x8b: {  	s0 =	sand.u32 $0x1, s1  }
0x8c: {  	s18 =	sshll.u32 s0, $0xA;
	s2 =	sadd.s32 s3, s2  }
0x8d: {  	s2 =	sadd.s32 s2, s18  }
0x8e: {  	[smem:$0x3FC1] =	sst s2  }
0x8f: {  	_ = 	snop  }
0x90: {  	s2 =	sld [smem:$0x3FC9]  }
0x91: {  	s19 =	sld [smem:$0x3FC8]  }
0x92: {  	s4 =	sld [smem:$0x3FC7]  }
0x93: {  	s5 =	sld [smem:$0x3FC6]  }
0x94: {  	s6 =	sld [smem:$0x3FC5]  }
0x95: {  	s7 =	sld [smem:$0x3FC4]  }
0x96: {  	s8 =	sld [smem:$0x3FC3]  }
0x97: {  	s9 =	sld [smem:$0x3FD0];
	(tm) =	ssettm $0x1  }
0x98: {  	s10 =	sld [smem:$0x3FFB];
	_ =	sdelay $0x3  }
0x99: {  	_ =	strace s10  }
0x9a: {  	s10 =	sld [smem:$0x3FFC];
	_ =	sdelay $0x3  }
0x9b: {  	_ =	strace s10  }
0x9c: {  	s10 =	sld [smem:$0x3FFD];
	_ =	sdelay $0x3  }
0x9d: {  	_ =	strace s10  }
0x9e: {  	_ =	strace $0x8FFFFFFF  }
0x9f: {  	s20 =	sld [smem:$0x3FDB];
	_ =	sdelay $0x1  }
0xa0: {  	s11 =	simm.s32 $_scs_section_size  }
0xa1: {  	s12 =	simm.s32 $_size__tile_overlayer_lowered;
	s13 =	simm.s32 $_tile_overlayer_lowered  }
0xa2: {  	s23 =	simm.s32 $0x1BFF;
	s22 =	sshll.u32 s13, $0x1;
	s10 =	sadd.s32 s11, s20  }
0xa3: {  	s14 =	simm.s32 $0x0;
	s21 =	sshll.u32 s12, $0x1;
	s12 =	sadd.s32 s22, s10  }
0xa4: {  	[timem:s14], [sflag:s23] =	dma.local [hbm:s12], s21  }
0xa5: {  	_ =	swait.ge [sflag:s23], s21  }
0xa6: {  	s11 =	ssub.s32 $0x0, s21;
	[sflag:s23] =	ssyncset.done $0x0  }
0xa7: {  	[sflag:s23] =	ssyncadd.s32 s11;
	_ =	sdelay $0x1  }
0xa8: {  	s24 =	simm.s32 $0x1B8B  }
0xa9: {  	_ =	swait.ge [sflag:s24], $0x1  }
0xaa: {  	[sflag:s24] =	ssyncset.done $0x0  }
0xab: {  	s25 =	simm.s32 $0x1B8E;
	[sflag:s24] =	ssyncadd.s32 $0xFFFFFFFF  }
0xac: {  	s26 =	simm.s32 $execute0_lowered;
	[smem:$0x3FD2] =	sst s25  }
0xad: {  	s11 =	sshll.u32 s26, $0x1;
	_ =	strace $0x80000046;
	[dreg:$0x1] =	wrdreg $0xFFFFFFFF  }
0xae: {  	s28 =	simm.s32 $_size_execute0_lowered;
	s10 =	sadd.s32 s10, s11;
	[dreg:$0x0] =	wrdreg $0x0  }
0xaf: {  	s11 =	sshll.u32 s28, $0x1;
	[dreg:$0x2] =	wrdreg s10  }
0xb0: {  	[dreg:$0x3] =	wrdreg s11  }
0xb1: {  	[dreg:$0x4] =	wrdreg $0xC0  }
0xb2: {  	_ =	task [dreg:s14], $0x5FFFF  }
0xb3: {  	[dreg:$0x1] =	wrdreg $0xFFFFFFFF  }
0xb4: {  	[dreg:$0x0] =	wrdreg $0x60  }
0xb5: {  	[dreg:$0x2] =	wrdreg s2  }
0xb6: {  	[dreg:$0x3] =	wrdreg s19  }
0xb7: {  	[dreg:$0x4] =	wrdreg s4  }
0xb8: {  	[dreg:$0x5] =	wrdreg s5  }
0xb9: {  	[dreg:$0x6] =	wrdreg s6  }
0xba: {  	[dreg:$0x7] =	wrdreg s7  }
0xbb: {  	[dreg:$0x8] =	wrdreg s8  }
0xbc: {  	[dreg:$0x9] =	wrdreg s9  }
0xbd: {  	[dreg:$0xa] =	wrdreg $0x181800  }
0xbe: {  	[dreg:$0xb] =	wrdreg $0x9  }
0xbf: {  	_ =	task.clear_ibuf [dreg:s14], $0xCFFFF;
	_ =	strace $0x90000046  }
0xc0: {  	s29 =	simm.s32 $0x9;
	_ =	strace $0x80000048  }
0xc1: {  	_ =	swait.ge [sflag:s29], $0x1  }
0xc2: {  	[sflag:s29] =	ssyncadd.s32 $0xFFFFFFFF  }
0xc3: {  	_ =	strace $0x90000048  }
0xc4: {  	_ =	sfence  }
0xc5: {  	s30 =	sld [smem:$0x0];
	_ =	sdelay $0x2  }
0xc6: {  	s31 =	sshll.u32 s1, $0xD;
	s1 =	sshrl.u32 s1, $0x2  }
0xc7: {  	s3 =	sand.u32 $0x4000, s31;
	s1 =	sadd.s32 s1, s30  }
0xc8: {  	s0 =	sor.u32 s3, s0;
	s1 =	sshll.u32 s1, $0x11  }
0xc9: {  	s0 =	sor.u32 s1, s0  }
0xca: {  	s0 =	sadd.s32 $0x8F2B, s0  }
0xcb: {  	[sflag:s0] =	ssyncadd.remote.s32 $0x1  }
0xcc: {  	_ =	sfence.sel $0xFFFF  }
0xcd: {  	[dreg:$0x0] =	wrdreg $0xFFFFFFFF;
	(pc) =	sbr.abs _section_cstart, $3  }
0xce: {  	[dreg:$0x1] =	wrdreg $0xFFFFFFFF  }
0xcf: {  	_ =	task.clear_ibuf [dreg:s14], $0x2FFFF;
	_ =	strace $0x9FFFFFFF  }
0xd0: {  	(tm) =	ssettm $0x7FFFFFFF  }
0xd1: {  	_ =	shalt  }
tec
execute0_lowered:
.L_overlay_start_1:
0x0: {  	(tag) =	ssettag $0x1  }
0x1: {  	s1 =	rddreg [dreg:$0x0]  }
0x2: {  	s2 =	rddreg [dreg:$0x1]  }
0x3: {  	s3 =	rddreg [dreg:$0x2]  }
0x4: {  	s0 =	rddreg [dreg:$0x3]  }
0x5: {  	s4 =	rddreg [dreg:$0x7]  }
0x6: {  	s10 =	rddreg [dreg:$0x8];
	s5 =	srdreg.scid;
	s7 =	simm.s32 $0x0  }
0x7: {  	s11 =	stileid.u32;
	s28 =	simm.s32 $0x280;
	s31 =	simm.s32 $0x180  }
0x8: {  	s30 =	simm.s32 $0x0;
	s5 =	sand.u32 $0x1, s5;
	[smem:$0x7FF] =	sst s7  }
0x9: {  	s9 =	sshll.u32 s11, $0x7;
	s29 =	sshll.u32 s11, $0xA;
	s17 =	sshll.u32 s11, $0x3  }
0xa: {  	s6 =	ssub.s32 $0x2, s5;
	s5 =	sshll.u32 s5, $0x6;
	_ =	strace $0x80000047  }
0xb: {  	v0 =	vimm.s32 $0xFEDCBA98;
	s18 =	sadd.s32 s29, s10;
	s8 =	sshrl.u32 s6, $0x1;
	s5 =	sor.u32 s5, s9  }
0xc: {  	v1 =	vimm.s32 $0x76543210;
	v2 =	vimm.s32 $0x3210FEDC;
	v3 =	vimm.s32 $0xBA987654;
	s6 =	ssub.s32 s6, s8;
	s3 =	sadd.s32 s3, s5;
	s20 =	sadd.s32 s1, s5  }
0xd: {  	v4 =	vimm.s32 $0x10FEDCBA;
	v5 =	vimm.s32 $0x98765432;
	v6 =	vimm.s32 $0xFEDCBA9;
	s21 =	sor.u32 $0x10, s5;
	s22 =	sadd.s32 s2, s5;
	s24 =	sor.u32 $0x20, s5  }
0xe: {  	v7 =	vimm.s32 $0x87654321;
	v0 =	vunpack.c.l.s4.s8 v0;
	v1 =	vunpack.c.l.s4.s8 v1;
	s26 =	sor.u32 $0x30, s5;
	s19 =	sadd.s32 s4, s5;
	[dreg:$0xa] =	wrdreg s3  }
0xf: {  	v2 =	vunpack.c.l.s4.s8 v2;
	v3 =	vunpack.c.l.s4.s8 v3;
	v4 =	vunpack.c.l.s4.s8 v4;
	s4 =	simm.s32 $0x4680;
	s5 =	simm.s32 $0x3;
	[dreg:$0xb] =	wrdreg s20  }
0x10: {  	v5 =	vunpack.c.l.s4.s8 v5;
	v6 =	vunpack.c.l.s4.s8 v6;
	v7 =	vunpack.c.l.s4.s8 v7;
	[dreg:$0xc] =	wrdreg s22;
	s23 =	sadd.s32 s1, s21;
	s3 =	sadd.s32 s2, s21  }
.Ltmp0:
0x11: {  	v0 =	vunpack.c.0.s8.s32 v0;
	v1 =	vunpack.c.0.s8.s32 v1;
	v2 =	vunpack.c.0.s8.s32 v2;
	s25 =	sadd.s32 s1, s24;
	s8 =	sadd.s32 s2, s24;
	(pc) =	sbr.rel .LBB2_1-.Ltmp0, $4  }
0x12: {  	v3 =	vunpack.c.0.s8.s32 v3;
	v4 =	vunpack.c.0.s8.s32 v4;
	v5 =	vunpack.c.0.s8.s32 v5;
	s15 =	sadd.s32 s1, s26;
	s16 =	sadd.s32 s2, s26;
	[dreg:$0xd] =	wrdreg s23  }
0x13: {  	v6 =	vunpack.c.0.s8.s32 v6;
	v7 =	vunpack.c.0.s8.s32 v7;
	v0 =	vand.u32 $0xF, v0;
	s22 =	smax.u32 s6, $0x1;
	s26 =	simm.s32 $0x80;
	[dreg:$0xe] =	wrdreg s3  }
0x14: {  	s1 =	simm.s32 $0x380;
	s6 =	simm.s32 $0x1;
	[dreg:$0xf] =	wrdreg s25;
	v0 =	vcombine.low v0, v1;
	v1 =	vcombine.low v3, v2  }
0x15: {  	s20 =	simm.s32 $0xC680;
	s24 =	simm.s32 $0x2;
	[dreg:$0x10] =	wrdreg s8;
	v2 =	vcombine.low v5, v4;
	v3 =	vcombine.low v7, v6;
	v4 =	vlaneseq.u32  }
.LBB2_14:
0x16: {  	s30 =	sadd.s32 $0x1, s30  }
0x17: {  	p0 =	sne.s32 s30, s22  }
.Ltmp1:
0x18: {  	s2 =	simm.s32 $0x17F80;
	(pc) =	sbr.rel @!p0 .LBB2_15-.Ltmp1, $4  }
0x19: {  	[hbm4b:s19+s7] =	stream.linear.scatter [tilespmem:s2], [sflag:$0x3], $0x200, $0x38;
	[tilespmem:$0x18580] =	vst v63  }
0x1a: {  	_ =	swait.ge [sflag:s5], $0x200  }
0x1b: {  	[sflag:s5] =	ssyncset.done $0x0  }
0x1c: {  	[sflag:s5] =	ssyncadd.s32 $0xFFFFFE00  }
.LBB2_1:
0x1d: {  	s2 =	rddreg [dreg:$0x5];
	s3 =	simm.s32 $0x14680  }
0x1e: {  	[tilespmem:s3], [sflag:$0x1] =	stream.linear.gather [hbm4b:s2+s7], $0x80, $0x38;
	[tilespmem:$0x18580] =	vst v63  }
0x1f: {  	s13 =	rddreg [dreg:$0x6];
	s14 =	simm.s32 $0x14700  }
0x20: {  	[tilespmem:s14], [sflag:$0x1] =	stream.linear.gather [hbm4b:s13+s7], $0x80, $0x38;
	[tilespmem:$0x18580] =	vst v63  }
0x21: {  	s21 =	rddreg [dreg:$0x4];
	s23 =	simm.s32 $0x14B80  }
0x22: {  	[tilespmem:s23], [sflag:$0x1] =	stream.linear.gather [hbm4b:s21+s7], $0x3200, $0x38;
	[tilespmem:$0x18580] =	vst v63  }
0x23: {  	s25 =	rddreg [dreg:$0xa];
	s29 =	simm.s32 $0x400  }
0x24: {  	[tilespmem:s29], [sflag:$0x1] =	stream.linear.gather [hbm4b:s25+s7], $0x200, $0x38;
	[tilespmem:$0x18580] =	vst v63  }
0x25: {  	s8 =	rddreg [dreg:$0xb]  }
0x26: {  	[tilespmem:s7], [sflag:$0x1] =	stream.linear.gather [hbm4b:s8+s7], $0x80, $0x38;
	[tilespmem:$0x18580] =	vst v63  }
0x27: {  	s9 =	rddreg [dreg:$0xc];
	s10 =	simm.s32 $0x200  }
0x28: {  	[tilespmem:s10], [sflag:$0x1] =	stream.linear.gather [hbm4b:s9+s7], $0x80, $0x38;
	[tilespmem:$0x18580] =	vst v63  }
0x29: {  	s11 =	rddreg [dreg:$0xd]  }
0x2a: {  	[tilespmem:s26], [sflag:$0x1] =	stream.linear.gather [hbm4b:s11+s7], $0x80, $0x38;
	[tilespmem:$0x18580] =	vst v63  }
0x2b: {  	s12 =	rddreg [dreg:$0xe]  }
0x2c: {  	[tilespmem:s28], [sflag:$0x1] =	stream.linear.gather [hbm4b:s12+s7], $0x80, $0x38;
	[tilespmem:$0x18580] =	vst v63  }
0x2d: {  	s13 =	rddreg [dreg:$0xf];
	s8 =	simm.s32 $0x100  }
0x2e: {  	[tilespmem:s8], [sflag:$0x1] =	stream.linear.gather [hbm4b:s13+s7], $0x80, $0x38;
	[tilespmem:$0x18580] =	vst v63  }
0x2f: {  	s14 =	rddreg [dreg:$0x10];
	s21 =	simm.s32 $0x300  }
0x30: {  	[tilespmem:s21], [sflag:$0x1] =	stream.linear.gather [hbm4b:s14+s7], $0x80, $0x38;
	[tilespmem:$0x18580] =	vst v63  }
0x31: {  	_ = 	snop  }
0x32: {  	[tilespmem:s31], [sflag:$0x1] =	stream.linear.gather [hbm4b:s15+s7], $0x80, $0x38;
	[tilespmem:$0x18580] =	vst v63  }
0x33: {  	_ = 	snop  }
0x34: {  	[tilespmem:s1], [sflag:$0x1] =	stream.linear.gather [hbm4b:s16+s7], $0x80, $0x38;
	[tilespmem:$0x18580] =	vst v63  }
0x35: {  	_ =	swait.ge [sflag:s6], $0x80  }
0x36: {  	[sflag:s6] =	ssyncset.done $0x0  }
0x37: {  	[sflag:s6] =	ssyncadd.s32 $0xFFFFFF80  }
0x38: {  	_ =	swait.ge [sflag:s6], $0x80  }
0x39: {  	[sflag:s6] =	ssyncset.done $0x0  }
0x3a: {  	[sflag:s6] =	ssyncadd.s32 $0xFFFFFF80  }
0x3b: {  	_ =	swait.ge [sflag:s6], $0x3200  }
0x3c: {  	[sflag:s6] =	ssyncset.done $0x0  }
0x3d: {  	[sflag:s6] =	ssyncadd.s32 $0xFFFFCE00  }
0x3e: {  	_ =	swait.ge [sflag:s6], $0x200  }
0x3f: {  	[sflag:s6] =	ssyncset.done $0x0  }
0x40: {  	[sflag:s6] =	ssyncadd.s32 $0xFFFFFE00  }
0x41: {  	_ =	swait.ge [sflag:s6], $0x80  }
0x42: {  	[sflag:s6] =	ssyncset.done $0x0  }
0x43: {  	[sflag:s6] =	ssyncadd.s32 $0xFFFFFF80  }
0x44: {  	_ =	swait.ge [sflag:s6], $0x80  }
0x45: {  	[sflag:s6] =	ssyncset.done $0x0  }
0x46: {  	[sflag:s6] =	ssyncadd.s32 $0xFFFFFF80  }
0x47: {  	_ =	swait.ge [sflag:s6], $0x80  }
0x48: {  	[sflag:s6] =	ssyncset.done $0x0  }
0x49: {  	[sflag:s6] =	ssyncadd.s32 $0xFFFFFF80  }
0x4a: {  	_ =	swait.ge [sflag:s6], $0x80  }
0x4b: {  	[sflag:s6] =	ssyncset.done $0x0  }
0x4c: {  	[sflag:s6] =	ssyncadd.s32 $0xFFFFFF80  }
0x4d: {  	_ =	swait.ge [sflag:s6], $0x80  }
0x4e: {  	[sflag:s6] =	ssyncset.done $0x0  }
0x4f: {  	[sflag:s6] =	ssyncadd.s32 $0xFFFFFF80  }
0x50: {  	_ =	swait.ge [sflag:s6], $0x80  }
0x51: {  	[sflag:s6] =	ssyncset.done $0x0  }
0x52: {  	[sflag:s6] =	ssyncadd.s32 $0xFFFFFF80  }
0x53: {  	_ =	swait.ge [sflag:s6], $0x80  }
0x54: {  	[sflag:s6] =	ssyncset.done $0x0  }
0x55: {  	[sflag:s6] =	ssyncadd.s32 $0xFFFFFF80  }
0x56: {  	_ =	swait.ge [sflag:s6], $0x80  }
0x57: {  	[sflag:s6] =	ssyncset.done $0x0  }
0x58: {  	[sflag:s6] =	ssyncadd.s32 $0xFFFFFF80  }
0x59: {  	v12 =	vld [tilespmem:$0x14680]  }
0x5a: {  	v13 =	vld [tilespmem:$0x14690]  }
0x5b: {  	v10 =	vld [tilespmem:$0x146A0]  }
0x5c: {  	v11 =	vld [tilespmem:$0x146B0]  }
0x5d: {  	v8 =	vld [tilespmem:$0x146C0]  }
0x5e: {  	v9 =	vld [tilespmem:$0x146D0]  }
0x5f: {  	s2 =	sadd.s32 $0x0, s17;
	v6 =	vld [tilespmem:$0x146E0]  }
0x60: {  	p0 =	slt.s32 s2, $0x63;
	s23 =	simm.s32 $0x680;
	v7 =	vld [tilespmem:$0x146F0]  }
0x61: {  	v5 =	vld [tilespmem:$0x14700];
	[tilespmem:s23], [sflag:$0x1] =	stream.indirect.gather [hbm4b:s0+s26], $0x80, s7, s26, $0xb8  }
0x62: {  	s2 =	simm.s32 @!p0 $0x63;
	s25 =	simm.s32 $0x8680  }
0x63: {  	[tilespmem:s25], [sflag:$0x1] =	stream.indirect.gather [hbm4b:s0+s26], $0x80, s10, s26, $0xb8;
	[tilespmem:$0x18580] =	vst v63  }
0x64: {  	s2 =	sshll.u32 s2, $0x7  }
0x65: {  	[tilespmem:s4], [sflag:$0x2] =	stream.indirect.gather [hbm4b:s0+s26], $0x80, s26, s26, $0xb8;
	[tilespmem:$0x18580] =	vst v63  }
0x66: {  	s29 =	sand.u32 $0x3FFFFF80, s2  }
0x67: {  	[tilespmem:s20], [sflag:$0x2] =	stream.indirect.gather [hbm4b:s0+s26], $0x80, s28, s26, $0xb8;
	[tilespmem:$0x18580] =	vst v63  }
0x68: {  	v14 =	vld [tilespmem:s29+$0x14B80]  }
0x69: {  	v15 =	vld [tilespmem:s29+$0x14B90];
	_ =	sdelay $0x3  }
0x6a: {  	v14 =	vsub.f32 $0.0e+00, v14  }
0x6b: {  	v15 =	vsub.f32 $0.0e+00, v15  }
0x6c: {  	v14 =	vmul.f32 $1.442695020e+00, v14  }
0x6d: {  	v15 =	vmul.f32 $1.442695020e+00, v15  }
0x6e: {  	(erf) = vpow2.f32 v14  }
0x6f: {  	(erf) = vpow2.f32 v15;
	_ =	sdelay $0x7  }
0x70: {  	v14 =	vpop (erf)  }
0x71: {  	v14 =	vadd.f32 $1.000000000e+00, v14;
	v15 =	vpop (erf)  }
0x72: {  	v15 =	vadd.f32 $1.000000000e+00, v15  }
0x73: {  	(erf) = vrcp.f32 v14  }
0x74: {  	(erf) = vrcp.f32 v15;
	_ =	sdelay $0x7  }
0x75: {  	v14 =	vpop (erf)  }
0x76: {  	v15 =	vpop (erf)  }
0x77: {  	v14 =	vmul.f32 v14, v12;
	v15 =	vmul.f32 v15, v13;
	_ =	sdelay $0x1  }
0x78: {  	v14 =	vadd.s32 $0x8000, v14;
	v15 =	vadd.s32 $0x8000, v15  }
0x79: {  	v14 =	vand.u32 $0xFFFF0000, v14;
	v15 =	vshrl.u32 v15, $0x10  }
0x7a: {  	s2 =	simm.s32 $0x147A0;
	v14 =	vor.u32 v14, v15  }
0x7b: {  	[tilespmem:s2+$0xFFFFFFE0] =	vst v14  }
0x7c: {  	v14 =	vld [tilespmem:s29+$0x14BA0]  }
0x7d: {  	v15 =	vld [tilespmem:s29+$0x14BB0];
	_ =	sdelay $0x3  }
0x7e: {  	v14 =	vsub.f32 $0.0e+00, v14  }
0x7f: {  	v15 =	vsub.f32 $0.0e+00, v15  }
0x80: {  	v14 =	vmul.f32 $1.442695020e+00, v14  }
0x81: {  	v15 =	vmul.f32 $1.442695020e+00, v15  }
0x82: {  	(erf) = vpow2.f32 v14  }
0x83: {  	(erf) = vpow2.f32 v15;
	_ =	sdelay $0x7  }
0x84: {  	v14 =	vpop (erf)  }
0x85: {  	v14 =	vadd.f32 $1.000000000e+00, v14;
	v15 =	vpop (erf)  }
0x86: {  	v15 =	vadd.f32 $1.000000000e+00, v15  }
0x87: {  	(erf) = vrcp.f32 v14  }
0x88: {  	(erf) = vrcp.f32 v15;
	_ =	sdelay $0x7  }
0x89: {  	v14 =	vpop (erf)  }
0x8a: {  	v15 =	vpop (erf)  }
0x8b: {  	v14 =	vmul.f32 v14, v10;
	v15 =	vmul.f32 v15, v11;
	_ =	sdelay $0x1  }
0x8c: {  	v14 =	vadd.s32 $0x8000, v14;
	v15 =	vadd.s32 $0x8000, v15  }
0x8d: {  	v14 =	vand.u32 $0xFFFF0000, v14;
	v15 =	vshrl.u32 v15, $0x10  }
0x8e: {  	v14 =	vor.u32 v14, v15  }
0x8f: {  	[tilespmem:s2+$0xFFFFFFF0] =	vst v14  }
0x90: {  	v14 =	vld [tilespmem:s29+$0x14BC0]  }
0x91: {  	v15 =	vld [tilespmem:s29+$0x14BD0];
	_ =	sdelay $0x3  }
0x92: {  	v14 =	vsub.f32 $0.0e+00, v14  }
0x93: {  	v15 =	vsub.f32 $0.0e+00, v15  }
0x94: {  	v14 =	vmul.f32 $1.442695020e+00, v14  }
0x95: {  	v15 =	vmul.f32 $1.442695020e+00, v15  }
0x96: {  	(erf) = vpow2.f32 v14  }
0x97: {  	(erf) = vpow2.f32 v15;
	_ =	sdelay $0x7  }
0x98: {  	v14 =	vpop (erf)  }
0x99: {  	v14 =	vadd.f32 $1.000000000e+00, v14;
	v15 =	vpop (erf)  }
0x9a: {  	v15 =	vadd.f32 $1.000000000e+00, v15  }
0x9b: {  	(erf) = vrcp.f32 v14  }
0x9c: {  	(erf) = vrcp.f32 v15;
	_ =	sdelay $0x7  }
0x9d: {  	v14 =	vpop (erf)  }
0x9e: {  	v15 =	vpop (erf)  }
0x9f: {  	v14 =	vmul.f32 v14, v8;
	v15 =	vmul.f32 v15, v9;
	_ =	sdelay $0x1  }
0xa0: {  	v14 =	vadd.s32 $0x8000, v14;
	v15 =	vadd.s32 $0x8000, v15  }
0xa1: {  	v14 =	vand.u32 $0xFFFF0000, v14;
	v15 =	vshrl.u32 v15, $0x10  }
0xa2: {  	v14 =	vor.u32 v14, v15  }
0xa3: {  	[tilespmem:s2+$0x0] =	vst v14  }
0xa4: {  	v14 =	vld [tilespmem:s29+$0x14BE0]  }
0xa5: {  	v15 =	vld [tilespmem:s29+$0x14BF0];
	_ =	sdelay $0x3  }
0xa6: {  	v14 =	vsub.f32 $0.0e+00, v14  }
0xa7: {  	v15 =	vsub.f32 $0.0e+00, v15  }
0xa8: {  	v14 =	vmul.f32 $1.442695020e+00, v14  }
0xa9: {  	v15 =	vmul.f32 $1.442695020e+00, v15  }
0xaa: {  	(erf) = vpow2.f32 v14  }
0xab: {  	(erf) = vpow2.f32 v15;
	_ =	sdelay $0x7  }
0xac: {  	v14 =	vpop (erf)  }
0xad: {  	v14 =	vadd.f32 $1.000000000e+00, v14;
	v15 =	vpop (erf)  }
0xae: {  	v15 =	vadd.f32 $1.000000000e+00, v15  }
0xaf: {  	(erf) = vrcp.f32 v14  }
0xb0: {  	(erf) = vrcp.f32 v15;
	_ =	sdelay $0x7  }
0xb1: {  	v14 =	vpop (erf)  }
0xb2: {  	v16 =	vpop (erf)  }
0xb3: {  	s3 =	simm.s32 $0x147A0;
	s8 =	simm.s32 $0x2;
	s21 =	simm.s32 $0x1;
	v15 =	vmul.f32 v14, v6;
	v14 =	vmul.f32 v16, v7  }
.LBB2_2:
0xb4: {  	s9 =	sadd.s32 s21, s17  }
0xb5: {  	v15 =	vadd.s32 $0x8000, v15;
	s2 =	sadd.s32 $0x80, s2;
	s21 =	smov.u32 s8;
	s23 =	sadd.s32 $0x1, s8  }
0xb6: {  	p0 =	sne.s32 s8, $0x7;
	p1 =	slt.s32 s9, $0x63;
	v15 =	vand.u32 $0xFFFF0000, v15;
	v14 =	vadd.s32 $0x8000, v14  }
0xb7: {  	s9 =	simm.s32 @!p1 $0x63;
	v14 =	vshrl.u32 v14, $0x10  }
0xb8: {  	s8 =	sshll.u32 s9, $0x7;
	v14 =	vor.u32 v15, v14  }
0xb9: {  	s8 =	sand.u32 $0x3FFFFF80, s8;
	[tilespmem:s3+$0x10] =	vst v14;
	s3 =	smov.u32 s2  }
0xba: {  	v14 =	vld [tilespmem:s8+$0x14B80]  }
0xbb: {  	v15 =	vld [tilespmem:s8+$0x14B90];
	_ =	sdelay $0x3  }
0xbc: {  	v14 =	vsub.f32 $0.0e+00, v14  }
0xbd: {  	v15 =	vsub.f32 $0.0e+00, v15  }
0xbe: {  	v14 =	vmul.f32 $1.442695020e+00, v14  }
0xbf: {  	v15 =	vmul.f32 $1.442695020e+00, v15  }
0xc0: {  	(erf) = vpow2.f32 v14  }
0xc1: {  	(erf) = vpow2.f32 v15;
	_ =	sdelay $0x7  }
0xc2: {  	v14 =	vpop (erf)  }
0xc3: {  	v14 =	vadd.f32 $1.000000000e+00, v14;
	v15 =	vpop (erf)  }
0xc4: {  	v15 =	vadd.f32 $1.000000000e+00, v15  }
0xc5: {  	(erf) = vrcp.f32 v14  }
0xc6: {  	(erf) = vrcp.f32 v15;
	_ =	sdelay $0x7  }
0xc7: {  	v14 =	vpop (erf)  }
0xc8: {  	v14 =	vmul.f32 v14, v12;
	v15 =	vpop (erf)  }
0xc9: {  	v15 =	vmul.f32 v15, v13  }
0xca: {  	v14 =	vadd.s32 $0x8000, v14  }
0xcb: {  	v14 =	vand.u32 $0xFFFF0000, v14;
	v15 =	vadd.s32 $0x8000, v15  }
0xcc: {  	v15 =	vshrl.u32 v15, $0x10  }
0xcd: {  	v14 =	vor.u32 v14, v15  }
0xce: {  	[tilespmem:s2+$0xFFFFFFE0] =	vst v14  }
0xcf: {  	v14 =	vld [tilespmem:s8+$0x14BA0]  }
0xd0: {  	v15 =	vld [tilespmem:s8+$0x14BB0];
	_ =	sdelay $0x3  }
0xd1: {  	v14 =	vsub.f32 $0.0e+00, v14  }
0xd2: {  	v15 =	vsub.f32 $0.0e+00, v15  }
0xd3: {  	v14 =	vmul.f32 $1.442695020e+00, v14  }
0xd4: {  	v15 =	vmul.f32 $1.442695020e+00, v15  }
0xd5: {  	(erf) = vpow2.f32 v14  }
0xd6: {  	(erf) = vpow2.f32 v15;
	_ =	sdelay $0x7  }
0xd7: {  	v14 =	vpop (erf)  }
0xd8: {  	v14 =	vadd.f32 $1.000000000e+00, v14;
	v15 =	vpop (erf)  }
0xd9: {  	v15 =	vadd.f32 $1.000000000e+00, v15  }
0xda: {  	(erf) = vrcp.f32 v14  }
0xdb: {  	(erf) = vrcp.f32 v15;
	_ =	sdelay $0x7  }
0xdc: {  	v14 =	vpop (erf)  }
0xdd: {  	v14 =	vmul.f32 v14, v10;
	v15 =	vpop (erf)  }
0xde: {  	v15 =	vmul.f32 v15, v11  }
0xdf: {  	v14 =	vadd.s32 $0x8000, v14  }
0xe0: {  	v14 =	vand.u32 $0xFFFF0000, v14;
	v15 =	vadd.s32 $0x8000, v15  }
0xe1: {  	v15 =	vshrl.u32 v15, $0x10  }
0xe2: {  	v14 =	vor.u32 v14, v15  }
0xe3: {  	[tilespmem:s2+$0xFFFFFFF0] =	vst v14  }
0xe4: {  	v14 =	vld [tilespmem:s8+$0x14BC0]  }
0xe5: {  	v15 =	vld [tilespmem:s8+$0x14BD0];
	_ =	sdelay $0x3  }
0xe6: {  	v14 =	vsub.f32 $0.0e+00, v14  }
0xe7: {  	v15 =	vsub.f32 $0.0e+00, v15  }
0xe8: {  	v14 =	vmul.f32 $1.442695020e+00, v14  }
0xe9: {  	v15 =	vmul.f32 $1.442695020e+00, v15  }
0xea: {  	(erf) = vpow2.f32 v14  }
0xeb: {  	(erf) = vpow2.f32 v15;
	_ =	sdelay $0x7  }
0xec: {  	v14 =	vpop (erf)  }
0xed: {  	v14 =	vadd.f32 $1.000000000e+00, v14;
	v15 =	vpop (erf)  }
0xee: {  	v15 =	vadd.f32 $1.000000000e+00, v15  }
0xef: {  	(erf) = vrcp.f32 v14  }
0xf0: {  	(erf) = vrcp.f32 v15;
	_ =	sdelay $0x7  }
0xf1: {  	v14 =	vpop (erf)  }
0xf2: {  	v14 =	vmul.f32 v14, v8;
	v15 =	vpop (erf)  }
0xf3: {  	v15 =	vmul.f32 v15, v9  }
0xf4: {  	v14 =	vadd.s32 $0x8000, v14  }
0xf5: {  	v14 =	vand.u32 $0xFFFF0000, v14;
	v15 =	vadd.s32 $0x8000, v15  }
0xf6: {  	v15 =	vshrl.u32 v15, $0x10  }
0xf7: {  	v14 =	vor.u32 v14, v15  }
0xf8: {  	[tilespmem:s2+$0x0] =	vst v14  }
0xf9: {  	v14 =	vld [tilespmem:s8+$0x14BE0]  }
0xfa: {  	v15 =	vld [tilespmem:s8+$0x14BF0];
	_ =	sdelay $0x3  }
0xfb: {  	v14 =	vsub.f32 $0.0e+00, v14  }
0xfc: {  	v15 =	vsub.f32 $0.0e+00, v15  }
0xfd: {  	v14 =	vmul.f32 $1.442695020e+00, v14  }
0xfe: {  	v15 =	vmul.f32 $1.442695020e+00, v15  }
0xff: {  	(erf) = vpow2.f32 v14  }
0x100: {  	(erf) = vpow2.f32 v15;
	_ =	sdelay $0x7  }
0x101: {  	v14 =	vpop (erf)  }
0x102: {  	v14 =	vadd.f32 $1.000000000e+00, v14;
	v15 =	vpop (erf)  }
0x103: {  	v15 =	vadd.f32 $1.000000000e+00, v15  }
0x104: {  	(erf) = vrcp.f32 v14  }
0x105: {  	(erf) = vrcp.f32 v15;
	_ =	sdelay $0x5  }
.Ltmp2:
0x106: {  	(pc) =	sbr.rel @p0 .LBB2_2-.Ltmp2, $4  }
0x107: {  	_ = 	snop  }
0x108: {  	v14 =	vpop (erf)  }
0x109: {  	v15 =	vmul.f32 v14, v6;
	v14 =	vpop (erf)  }
0x10a: {  	s8 =	smov.u32 s23;
	v14 =	vmul.f32 v14, v7  }
0x10b: {  	s8 =	sadd.s32 s21, s17  }
0x10c: {  	v15 =	vadd.s32 $0x8000, v15;
	p0 =	slt.s32 s8, $0x63;
	v14 =	vadd.s32 $0x8000, v14  }
0x10d: {  	v15 =	vand.u32 $0xFFFF0000, v15;
	s8 =	simm.s32 @!p0 $0x63;
	v14 =	vshrl.u32 v14, $0x10  }
0x10e: {  	s8 =	sshll.u32 s8, $0x7;
	v14 =	vor.u32 v15, v14  }
0x10f: {  	s8 =	sand.u32 $0x3FFFFF80, s8;
	[tilespmem:s3+$0x10] =	vst v14  }
0x110: {  	v14 =	vld [tilespmem:s8+$0x14B80]  }
0x111: {  	v60 =	vld [tilespmem:s8+$0x14B90];
	_ =	sdelay $0x3  }
0x112: {  	v14 =	vsub.f32 $0.0e+00, v14  }
0x113: {  	v15 =	vsub.f32 $0.0e+00, v60  }
0x114: {  	v14 =	vmul.f32 $1.442695020e+00, v14  }
0x115: {  	v15 =	vmul.f32 $1.442695020e+00, v15  }
0x116: {  	(erf) = vpow2.f32 v14  }
0x117: {  	(erf) = vpow2.f32 v15;
	_ =	sdelay $0x7  }
0x118: {  	v14 =	vpop (erf)  }
0x119: {  	v14 =	vadd.f32 $1.000000000e+00, v14;
	v15 =	vpop (erf)  }
0x11a: {  	v15 =	vadd.f32 $1.000000000e+00, v15  }
0x11b: {  	(erf) = vrcp.f32 v14  }
0x11c: {  	(erf) = vrcp.f32 v15;
	_ =	sdelay $0x7  }
0x11d: {  	v14 =	vpop (erf)  }
0x11e: {  	v15 =	vpop (erf)  }
0x11f: {  	v12 =	vmul.f32 v14, v12;
	v13 =	vmul.f32 v15, v13;
	_ =	sdelay $0x1  }
0x120: {  	v12 =	vadd.s32 $0x8000, v12;
	v13 =	vadd.s32 $0x8000, v13  }
0x121: {  	v12 =	vand.u32 $0xFFFF0000, v12;
	v13 =	vshrl.u32 v13, $0x10  }
0x122: {  	s2 =	sadd.s32 $0x80, s2;
	v12 =	vor.u32 v12, v13  }
0x123: {  	[tilespmem:s2+$0xFFFFFFE0] =	vst v12  }
0x124: {  	v12 =	vld [tilespmem:s8+$0x14BA0]  }
0x125: {  	v61 =	vld [tilespmem:s8+$0x14BB0];
	_ =	sdelay $0x3  }
0x126: {  	v12 =	vsub.f32 $0.0e+00, v12  }
0x127: {  	v13 =	vsub.f32 $0.0e+00, v61  }
0x128: {  	v12 =	vmul.f32 $1.442695020e+00, v12  }
0x129: {  	v13 =	vmul.f32 $1.442695020e+00, v13  }
0x12a: {  	(erf) = vpow2.f32 v12  }
0x12b: {  	(erf) = vpow2.f32 v13;
	_ =	sdelay $0x7  }
0x12c: {  	v12 =	vpop (erf)  }
0x12d: {  	v12 =	vadd.f32 $1.000000000e+00, v12;
	v13 =	vpop (erf)  }
0x12e: {  	v13 =	vadd.f32 $1.000000000e+00, v13  }
0x12f: {  	(erf) = vrcp.f32 v12  }
0x130: {  	(erf) = vrcp.f32 v13;
	_ =	sdelay $0x7  }
0x131: {  	v12 =	vpop (erf)  }
0x132: {  	v13 =	vpop (erf)  }
0x133: {  	v10 =	vmul.f32 v12, v10;
	v11 =	vmul.f32 v13, v11;
	_ =	sdelay $0x1  }
0x134: {  	v10 =	vadd.s32 $0x8000, v10;
	v11 =	vadd.s32 $0x8000, v11  }
0x135: {  	v10 =	vand.u32 $0xFFFF0000, v10;
	v11 =	vshrl.u32 v11, $0x10  }
0x136: {  	v10 =	vor.u32 v10, v11  }
0x137: {  	[tilespmem:s2+$0xFFFFFFF0] =	vst v10  }
0x138: {  	v10 =	vld [tilespmem:s8+$0x14BC0]  }
0x139: {  	v62 =	vld [tilespmem:s8+$0x14BD0];
	_ =	sdelay $0x3  }
0x13a: {  	v10 =	vsub.f32 $0.0e+00, v10  }
0x13b: {  	v11 =	vsub.f32 $0.0e+00, v62  }
0x13c: {  	v10 =	vmul.f32 $1.442695020e+00, v10  }
0x13d: {  	v11 =	vmul.f32 $1.442695020e+00, v11  }
0x13e: {  	(erf) = vpow2.f32 v10  }
0x13f: {  	(erf) = vpow2.f32 v11;
	_ =	sdelay $0x7  }
0x140: {  	v10 =	vpop (erf)  }
0x141: {  	v10 =	vadd.f32 $1.000000000e+00, v10;
	v11 =	vpop (erf)  }
0x142: {  	v11 =	vadd.f32 $1.000000000e+00, v11  }
0x143: {  	(erf) = vrcp.f32 v10  }
0x144: {  	(erf) = vrcp.f32 v11;
	_ =	sdelay $0x7  }
0x145: {  	v10 =	vpop (erf)  }
0x146: {  	v11 =	vpop (erf)  }
0x147: {  	v8 =	vmul.f32 v10, v8;
	v9 =	vmul.f32 v11, v9;
	_ =	sdelay $0x1  }
0x148: {  	v8 =	vadd.s32 $0x8000, v8;
	v9 =	vadd.s32 $0x8000, v9  }
0x149: {  	v8 =	vand.u32 $0xFFFF0000, v8;
	v9 =	vshrl.u32 v9, $0x10  }
0x14a: {  	v8 =	vor.u32 v8, v9  }
0x14b: {  	[tilespmem:s2+$0x0] =	vst v8  }
0x14c: {  	v8 =	vld [tilespmem:s8+$0x14BE0]  }
0x14d: {  	v63 =	vld [tilespmem:s8+$0x14BF0];
	_ =	sdelay $0x3  }
0x14e: {  	v8 =	vsub.f32 $0.0e+00, v8  }
0x14f: {  	v9 =	vsub.f32 $0.0e+00, v63  }
0x150: {  	v8 =	vmul.f32 $1.442695020e+00, v8  }
0x151: {  	v9 =	vmul.f32 $1.442695020e+00, v9  }
0x152: {  	(erf) = vpow2.f32 v8  }
0x153: {  	(erf) = vpow2.f32 v9;
	_ =	sdelay $0x7  }
0x154: {  	v8 =	vpop (erf)  }
0x155: {  	v8 =	vadd.f32 $1.000000000e+00, v8;
	v9 =	vpop (erf)  }
0x156: {  	v9 =	vadd.f32 $1.000000000e+00, v9  }
0x157: {  	(erf) = vrcp.f32 v8  }
0x158: {  	(erf) = vrcp.f32 v9;
	_ =	sdelay $0x7  }
0x159: {  	v8 =	vpop (erf)  }
0x15a: {  	v9 =	vpop (erf)  }
0x15b: {  	v6 =	vmul.f32 v8, v6;
	v7 =	vmul.f32 v9, v7;
	_ =	sdelay $0x1  }
0x15c: {  	v6 =	vadd.s32 $0x8000, v6;
	v7 =	vadd.s32 $0x8000, v7  }
0x15d: {  	v6 =	vand.u32 $0xFFFF0000, v6;
	v7 =	vshrl.u32 v7, $0x10  }
0x15e: {  	v6 =	vor.u32 v6, v7  }
0x15f: {  	s23 =	simm.s32 $0x14780;
	[tilespmem:s2+$0x10] =	vst v6  }
0x160: {  	[spmem:s18] =	stream.linear.scatter [tilespmem:s23], [sflag:$0x3], $0x400, $0x38;
	[tilespmem:$0x18580] =	vst v63  }
0x161: {  	_ =	swait.ge [sflag:s5], $0x400  }
0x162: {  	[sflag:s5] =	ssyncset.done $0x0  }
0x163: {  	[sflag:s5] =	ssyncadd.s32 $0xFFFFFC00  }
0x164: {  	[bflag:$0x0] =	sbarrier.arrive $0xFFFF  }
0x165: {  	s29 =	simm.s32 $0x10680;
	s25 =	rddreg [dreg:$0x8]  }
0x166: {  	[tilespmem:s29], [sflag:$0x3] =	stream.linear.gather [spmem:s25], $0x4000, $0x38;
	[tilespmem:$0x18580] =	vst v63  }
0x167: {  	_ =	swait.ge [sflag:s5], $0x4000  }
0x168: {  	[sflag:s5] =	ssyncset.done $0x0  }
0x169: {  	p0 =	por $0x1, $0x1;
	s2 =	simm.s32 $0x0;
	[sflag:s5] =	ssyncadd.s32 $0xFFFFC000  }
.LBB2_4:
0x16a: {  	_ =	swait.ge [sflag:s6], $0x4000  }
0x16b: {  	[sflag:s6] =	ssyncset.done $0x0  }
0x16c: {  	[sflag:s6] =	ssyncadd.s32 $0xFFFFC000  }
0x16d: {  	s2 =	sshra.s32 s2, $0x2;
	s21 =	simm.s32 $0x6C0;
	_ =	swait.ge [sflag:s6], $0x4000  }
0x16e: {  	s23 =	simm.s32 $0x86C0;
	s8 =	sadd.s32 $0x17F80, s2;
	[sflag:s6] =	ssyncset.done $0x0  }
0x16f: {  	s29 =	simm.s32 $0x0;
	s3 =	sadd.s32 $0x400, s2;
	v6 =	vmov s8;
	[sflag:s6] =	ssyncadd.s32 $0xFFFFC000  }
.LBB2_5:
0x170: {  	v7 =	vld [tilespmem:s3+$0x0];
	_ =	sdelay $0x4  }
0x171: {  	(v2sf) =	vpush v7, $0x0;
	_ =	sdelay $0xa  }
0x172: {  	v15 =	vld [tilespmem:s21+$0x30]  }
0x173: {  	v8 =	vld [tilespmem:s21+$0xFFFFFFF0]  }
0x174: {  	v9 =	vld [tilespmem:s21+$0xFFFFFFD0]  }
0x175: {  	v10 =	vld [tilespmem:s21+$0xFFFFFFC0]  }
0x176: {  	s12 =	sadd.s32 $0x1, s3;
	v12 =	vld [tilespmem:s23+$0xFFFFFFC0];
	s8 =	spop (v2sf)  }
0x177: {  	v11 =	vld [tilespmem:s12+$0x0];
	s8 =	sshll.u32 s8, $0x9  }
0x178: {  	v14 =	vld [tilespmem:s23+$0xFFFFFFD0];
	s8 =	sshra.s32 s8, $0x2  }
0x179: {  	v13 =	vld [tilespmem:s8+$0x10680]  }
0x17a: {  	v16 =	vld [tilespmem:s21+$0xFFFFFFE0]  }
0x17b: {  	v18 =	vld [tilespmem:s23+$0xFFFFFFF0]  }
0x17c: {  	(v2sf) =	vpush v11, $0x0;
	v11 =	vld [tilespmem:s23+$0xFFFFFFE0]  }
0x17d: {  	v10 =	vmul.f32 v12, v10;
	v12 =	vld [tilespmem:s8+$0x10690]  }
0x17e: {  	v19 =	vld [tilespmem:s23+$0x10];
	v17 =	vand.u32 $0xFFFF0000, v13  }
0x17f: {  	v9 =	vmul.f32 v14, v9;
	v14 =	vld [tilespmem:s21+$0x0];
	v10 =	vmul.f32 v17, v10  }
0x180: {  	v13 =	vshll.u32 v13, $0x10;
	v17 =	vld [tilespmem:s23+$0x0]  }
0x181: {  	v11 =	vmul.f32 v11, v16;
	v9 =	vmul.f32 v13, v9;
	v13 =	vld [tilespmem:s8+$0x106A0];
	v10 =	vadd.f32 $0.0e+00, v10  }
0x182: {  	v7 =	vld [tilespmem:s21+$0x10];
	v16 =	vand.u32 $0xFFFF0000, v12  }
0x183: {  	v8 =	vmul.f32 v18, v8;
	v9 =	vadd.f32 v9, v10;
	v10 =	vmul.f32 v16, v11;
	v11 =	vld [tilespmem:s21+$0x20]  }
0x184: {  	v12 =	vshll.u32 v12, $0x10;
	v16 =	vld [tilespmem:s23+$0x20]  }
0x185: {  	v18 =	vld [tilespmem:s8+$0x106B0];
	v9 =	vadd.f32 v10, v9;
	v10 =	vmul.f32 v12, v8;
	v12 =	vmul.f32 v17, v14  }
0x186: {  	s11 =	sadd.s32 $0x80, s21;
	v14 =	vand.u32 $0xFFFF0000, v13;
	v17 =	vld [tilespmem:s23+$0x30]  }
0x187: {  	v7 =	vmul.f32 v19, v7;
	v8 =	vld [tilespmem:s11+$0x30];
	v20 =	vadd.f32 v10, v9;
	v12 =	vmul.f32 v14, v12  }
0x188: {  	v13 =	vshll.u32 v13, $0x10;
	v9 =	vld [tilespmem:s11+$0x10]  }
0x189: {  	v13 =	vmul.f32 v13, v7;
	v10 =	vld [tilespmem:s11+$0xFFFFFFF0];
	v16 =	vmul.f32 v16, v11;
	v12 =	vadd.f32 v12, v20  }
0x18a: {  	s9 =	simm.s32 $0x0;
	s10 =	simm.s32 $0x2;
	v19 =	vand.u32 $0xFFFF0000, v18;
	v14 =	vld [tilespmem:s11+$0xFFFFFFC0]  }
0x18b: {  	s25 =	simm.s32 $0x3;
	s13 =	sadd.s32 $0x1, s12;
	s14 =	spop (v2sf);
	v11 =	vld [tilespmem:s11+$0xFFFFFFD0];
	v15 =	vmul.f32 v17, v15;
	v12 =	vadd.f32 v13, v12;
	v13 =	vmul.f32 v19, v16  }
0x18c: {  	s12 =	sadd.s32 $0x80, s23;
	s8 =	simm.s32 $0x1;
	v7 =	vimm.f32 $0.0e+00;
	s14 =	sshll.u32 s14, $0x9;
	v17 =	vld [tilespmem:s13+$0x0];
	v16 =	vshll.u32 v18, $0x10  }
.LBB2_6:
0x18d: {  	p1 =	sne.s32 s25, $0xF;
	s14 =	sshra.s32 s14, $0x2;
	v18 =	vld [tilespmem:s12+$0xFFFFFFC0];
	v12 =	vadd.f32 v13, v12;
	v13 =	vmul.f32 v16, v15  }
0x18e: {  	v15 =	vld [tilespmem:s14+$0x10680]  }
0x18f: {  	v16 =	vld [tilespmem:s12+$0xFFFFFFD0];
	v12 =	vadd.f32 v13, v12  }
0x190: {  	v13 =	vld [tilespmem:s11+$0xFFFFFFE0]  }
0x191: {  	(v2sf) =	vpush v17, $0x0;
	v17 =	vld [tilespmem:s12+$0xFFFFFFE0];
	v19 =	vperm.xlane v12, v0  }
0x192: {  	v14 =	vmul.f32 v18, v14;
	v18 =	vld [tilespmem:s14+$0x10690]  }
0x193: {  	v20 =	vand.u32 $0xFFFF0000, v15;
	v21 =	vld [tilespmem:s12+$0xFFFFFFF0];
	v12 =	vadd.f32 v12, v19  }
0x194: {  	v14 =	vmul.f32 v20, v14;
	v11 =	vmul.f32 v16, v11;
	v16 =	vld [tilespmem:s11+$0x0]  }
0x195: {  	v15 =	vshll.u32 v15, $0x10;
	v19 =	vld [tilespmem:s12+$0x0];
	v20 =	vperm.xlane v12, v1  }
0x196: {  	v14 =	vadd.f32 $0.0e+00, v14;
	v11 =	vmul.f32 v15, v11;
	v13 =	vmul.f32 v17, v13;
	v15 =	vld [tilespmem:s14+$0x106A0]  }
0x197: {  	v17 =	vand.u32 $0xFFFF0000, v18;
	v22 =	vld [tilespmem:s12+$0x10];
	v12 =	vadd.f32 v12, v20  }
0x198: {  	v11 =	vadd.f32 v11, v14;
	v13 =	vmul.f32 v17, v13;
	v10 =	vmul.f32 v21, v10;
	v14 =	vld [tilespmem:s11+$0x20]  }
0x199: {  	v17 =	vshll.u32 v18, $0x10;
	v18 =	vld [tilespmem:s12+$0x20];
	v20 =	vperm.xlane v12, v2  }
0x19a: {  	v11 =	vadd.f32 v13, v11;
	v10 =	vmul.f32 v17, v10;
	v13 =	vmul.f32 v19, v16;
	v16 =	vld [tilespmem:s14+$0x106B0]  }
0x19b: {  	s11 =	sadd.s32 $0x80, s11;
	v17 =	vand.u32 $0xFFFF0000, v15;
	v19 =	vld [tilespmem:s12+$0x30];
	v12 =	vadd.f32 v12, v20  }
0x19c: {  	v20 =	vld [tilespmem:s11+$0x30];
	v11 =	vadd.f32 v10, v11;
	v13 =	vmul.f32 v17, v13;
	v17 =	vmul.f32 v22, v9  }
.Ltmp3:
0x19d: {  	v15 =	vshll.u32 v15, $0x10;
	v22 =	vmov s9;
	s9 =	smov.u32 s8;
	s8 =	smov.u32 s10;
	v9 =	vld [tilespmem:s11+$0x10];
	v21 =	vperm.xlane v12, v3;
	(pc) =	sbr.rel @p1 .LBB2_6-.Ltmp3, $4  }
0x19e: {  	s10 =	smov.u32 s25;
	v10 =	vld [tilespmem:s11+$0xFFFFFFF0];
	v13 =	vadd.f32 v13, v11;
	v15 =	vmul.f32 v15, v17;
	v17 =	vmul.f32 v18, v14  }
0x19f: {  	vm0 =	veq.s32 v22, v4;
	v11 =	vld [tilespmem:s11+$0xFFFFFFD0];
	v18 =	vand.u32 $0xFFFF0000, v16;
	v21 =	vadd.f32 v12, v21  }
0x1a0: {  	s13 =	sadd.s32 $0x1, s13;
	v14 =	vld [tilespmem:s11+$0xFFFFFFC0];
	s14 =	spop (v2sf);
	v12 =	vadd.f32 v15, v13;
	v13 =	vmul.f32 v18, v17;
	v15 =	vmul.f32 v19, v8  }
0x1a1: {  	s12 =	sadd.s32 $0x80, s12;
	s25 =	sadd.s32 $0x1, s25;
	v16 =	vshll.u32 v16, $0x10;
	v17 =	vld [tilespmem:s13+$0x0];
	s14 =	sshll.u32 s14, $0x9;
	v7 =	vsel vm0, v21, v7;
	v8 =	vmov v20  }
0x1a2: {  	_ = 	snop  }
0x1a3: {  	v18 =	vld [tilespmem:s12+$0xFFFFFFC0]  }
0x1a4: {  	v48 =	vld [tilespmem:s12+$0xFFFFFFD0]  }
0x1a5: {  	v20 =	vld [tilespmem:s11+$0xFFFFFFE0]  }
0x1a6: {  	v21 =	vld [tilespmem:s12+$0xFFFFFFE0];
	(v2sf) =	vpush v17, $0x0  }
0x1a7: {  	v23 =	vld [tilespmem:s12+$0xFFFFFFF0]  }
0x1a8: {  	v24 =	vld [tilespmem:s11+$0x0]  }
0x1a9: {  	v25 =	vld [tilespmem:s12+$0x0]  }
0x1aa: {  	v27 =	vld [tilespmem:s12+$0x10]  }
0x1ab: {  	v28 =	vld [tilespmem:s11+$0x20]  }
0x1ac: {  	v29 =	vld [tilespmem:s12+$0x20]  }
0x1ad: {  	s13 =	sshra.s32 s14, $0x2;
	v31 =	vld [tilespmem:s12+$0x30]  }
0x1ae: {  	v19 =	vld [tilespmem:s13+$0x10680]  }
0x1af: {  	v22 =	vld [tilespmem:s13+$0x10690]  }
0x1b0: {  	v26 =	vld [tilespmem:s13+$0x106A0]  }
0x1b1: {  	s11 =	sadd.s32 $0x80, s11;
	v30 =	vld [tilespmem:s13+$0x106B0]  }
0x1b2: {  	v33 =	vld [tilespmem:s11+$0xFFFFFFD0]  }
0x1b3: {  	s14 =	sadd.s32 $0x80, s12;
	v49 =	vld [tilespmem:s11+$0xFFFFFFC0]  }
0x1b4: {  	v35 =	vld [tilespmem:s14+$0xFFFFFFC0]  }
0x1b5: {  	v51 =	vld [tilespmem:s14+$0xFFFFFFD0];
	s25 =	spop (v2sf)  }
0x1b6: {  	v15 =	vmul.f32 v16, v15;
	v52 =	vld [tilespmem:s11+$0xFFFFFFF0];
	s13 =	sshll.u32 s25, $0x9  }
0x1b7: {  	v12 =	vadd.f32 v13, v12;
	v54 =	vld [tilespmem:s11+$0xFFFFFFE0];
	v14 =	vmul.f32 v18, v14;
	v11 =	vmul.f32 v48, v11;
	s13 =	sshra.s32 s13, $0x2  }
0x1b8: {  	v53 =	vmul.f32 v21, v20;
	v10 =	vmul.f32 v23, v10;
	v50 =	vld [tilespmem:s13+$0x10680]  }
0x1b9: {  	v56 =	vld [tilespmem:s14+$0xFFFFFFE0];
	v12 =	vadd.f32 v15, v12;
	v25 =	vmul.f32 v25, v24;
	v9 =	vmul.f32 v27, v9  }
0x1ba: {  	v61 =	vld [tilespmem:s14+$0xFFFFFFF0];
	v43 =	vmul.f32 v29, v28;
	v8 =	vmul.f32 v31, v8;
	v34 =	vand.u32 $0xFFFF0000, v19  }
0x1bb: {  	v62 =	vld [tilespmem:s11+$0x10];
	v19 =	vshll.u32 v19, $0x10;
	v55 =	vand.u32 $0xFFFF0000, v22;
	v14 =	vmul.f32 v34, v14  }
0x1bc: {  	v18 =	vmul.f32 v35, v49;
	v60 =	vmul.f32 v51, v33;
	v22 =	vshll.u32 v22, $0x10;
	v57 =	vld [tilespmem:s13+$0x10690]  }
0x1bd: {  	v63 =	vld [tilespmem:s11+$0x0];
	v11 =	vmul.f32 v19, v11;
	v14 =	vadd.f32 $0.0e+00, v14;
	v58 =	vand.u32 $0xFFFF0000, v50  }
0x1be: {  	v20 =	vmul.f32 v56, v54;
	v33 =	vld [tilespmem:s14+$0x0];
	v36 =	vand.u32 $0xFFFF0000, v26;
	v59 =	vmul.f32 v58, v18  }
0x1bf: {  	v37 =	vld [tilespmem:s14+$0x10];
	v39 =	vshll.u32 v26, $0x10;
	v11 =	vadd.f32 v11, v14;
	v17 =	vshll.u32 v50, $0x10  }
0x1c0: {  	v14 =	vmul.f32 v55, v53;
	v34 =	vld [tilespmem:s13+$0x106A0];
	v17 =	vmul.f32 v17, v60;
	v13 =	vadd.f32 $0.0e+00, v59  }
0x1c1: {  	v38 =	vld [tilespmem:s11+$0x20];
	v10 =	vmul.f32 v22, v10;
	v19 =	vmul.f32 v61, v52;
	v35 =	vand.u32 $0xFFFF0000, v57  }
0x1c2: {  	v40 =	vld [tilespmem:s14+$0x20];
	v11 =	vadd.f32 v14, v11;
	v13 =	vadd.f32 v17, v13;
	v17 =	vmul.f32 v35, v20  }
0x1c3: {  	v32 =	vld [tilespmem:s11+$0x30];
	v15 =	vmul.f32 v36, v25;
	v41 =	vmul.f32 v33, v63;
	v16 =	vshll.u32 v57, $0x10  }
0x1c4: {  	v10 =	vadd.f32 v10, v11;
	v42 =	vld [tilespmem:s13+$0x106B0];
	v16 =	vmul.f32 v16, v19;
	v13 =	vadd.f32 v17, v13  }
0x1c5: {  	v45 =	vld [tilespmem:s14+$0x30];
	v46 =	vand.u32 $0xFFFF0000, v30;
	v14 =	vmul.f32 v37, v62;
	v44 =	vand.u32 $0xFFFF0000, v34  }
0x1c6: {  	v10 =	vadd.f32 v15, v10;
	v15 =	vmul.f32 v44, v41;
	v13 =	vadd.f32 v16, v13  }
0x1c7: {  	v48 =	vmul.f32 v40, v38;
	v9 =	vmul.f32 v39, v9;
	v11 =	vshll.u32 v34, $0x10  }
0x1c8: {  	v49 =	vshll.u32 v30, $0x10;
	v11 =	vmul.f32 v11, v14;
	v13 =	vadd.f32 v15, v13  }
0x1c9: {  	v47 =	vmul.f32 v46, v43;
	v9 =	vadd.f32 v9, v10;
	v50 =	vand.u32 $0xFFFF0000, v42  }
0x1ca: {  	v52 =	vmul.f32 v45, v32;
	v51 =	vmul.f32 v50, v48;
	v11 =	vadd.f32 v11, v13  }
0x1cb: {  	v8 =	vmul.f32 v49, v8;
	v9 =	vadd.f32 v47, v9;
	v53 =	vshll.u32 v42, $0x10  }
0x1cc: {  	v10 =	vmul.f32 v53, v52;
	v11 =	vadd.f32 v51, v11  }
0x1cd: {  	v8 =	vadd.f32 v8, v9  }
0x1ce: {  	v54 =	vperm.xlane v12, v0;
	v55 =	vadd.f32 v10, v11  }
0x1cf: {  	v57 =	vperm.xlane v8, v0  }
0x1d0: {  	v56 =	vadd.f32 v12, v54;
	v58 =	vperm.xlane v55, v0  }
0x1d1: {  	v8 =	vadd.f32 v8, v57  }
0x1d2: {  	v13 =	vperm.xlane v56, v1;
	v9 =	vadd.f32 v55, v58  }
0x1d3: {  	v11 =	vperm.xlane v8, v1  }
0x1d4: {  	v10 =	vadd.f32 v56, v13;
	v12 =	vperm.xlane v9, v1  }
0x1d5: {  	v8 =	vadd.f32 v8, v11  }
0x1d6: {  	v13 =	vperm.xlane v10, v2;
	v9 =	vadd.f32 v9, v12  }
0x1d7: {  	v11 =	vperm.xlane v8, v2  }
0x1d8: {  	v10 =	vadd.f32 v10, v13;
	v12 =	vperm.xlane v9, v2  }
0x1d9: {  	v8 =	vadd.f32 v8, v11  }
0x1da: {  	v13 =	vperm.xlane v10, v3;
	v9 =	vadd.f32 v9, v12  }
0x1db: {  	v63 =	vmov s10;
	v60 =	vperm.xlane v8, v3  }
0x1dc: {  	v59 =	vmov s9;
	v10 =	vadd.f32 v10, v13;
	v61 =	vperm.xlane v9, v3  }
0x1dd: {  	v62 =	vmov s8;
	vm0 =	veq.s32 v59, v4;
	v8 =	vadd.f32 v8, v60  }
0x1de: {  	vm14 =	veq.s32 v62, v4;
	v7 =	vsel vm0, v10, v7;
	v9 =	vadd.f32 v9, v61  }
0x1df: {  	vm15 =	veq.s32 v63, v4;
	v7 =	vsel vm14, v8, v7  }
0x1e0: {  	v7 =	vsel vm15, v9, v7  }
0x1e1: {  	v7 =	vadd.f32 v7, v5;
	_ =	sdelay $0x1  }
0x1e2: {  	v7 =	vsub.f32 $0.0e+00, v7;
	_ =	sdelay $0x1  }
0x1e3: {  	v7 =	vmul.f32 $1.442695020e+00, v7;
	_ =	sdelay $0x1  }
0x1e4: {  	(erf) = vpow2.f32 v7;
	_ =	sdelay $0x8  }
0x1e5: {  	v7 =	vpop (erf)  }
0x1e6: {  	v7 =	vadd.f32 $1.000000000e+00, v7;
	_ =	sdelay $0x1  }
0x1e7: {  	(erf) = vrcp.f32 v7;
	_ =	sdelay $0x3  }
0x1e8: {  	s25 =	sshll.u32 s29, $0x4;
	s29 =	sadd.s32 $0x1, s29  }
0x1e9: {  	p1 =	sne.s32 s29, $0x8  }
.Ltmp4:
0x1ea: {  	_ = 	snop;
	(pc) =	sbr.rel @p1 .LBB2_5-.Ltmp4, $3  }
0x1eb: {  	_ =	sdelay $0x1  }
0x1ec: {  	s8 =	sand.u32 $0x3FFFFFF0, s25;
	v7 =	vpop (erf)  }
0x1ed: {  	s3 =	sadd.s32 $0x10, s3;
	s21 =	sadd.s32 $0x800, s21;
	s23 =	sadd.s32 $0x800, s23;
	[tilespmem:v6+s8+$0x0 ss:$0x1] =	vst.idx.msk $0xffff, v7  }
0x1ee: {  	s3 =	simm.s32 @p0 $0x80;
	s8 =	simm.s32 @p0 $0x100;
	s9 =	simm.s32 @p0 $0x680  }
0x1ef: {  	[tilespmem:s9], [sflag:$0x1] =	stream.indirect.gather @p0 [hbm4b:s0+s3], $0x80, s8, s3, $0xb8;
	[tilespmem:$0x18580] =	vst v63  }
0x1f0: {  	s8 =	simm.s32 @p0 $0x300;
	s9 =	simm.s32 @p0 $0x8680  }
0x1f1: {  	[tilespmem:s9], [sflag:$0x1] =	stream.indirect.gather @p0 [hbm4b:s0+s3], $0x80, s8, s3, $0xb8;
	[tilespmem:$0x18580] =	vst v63  }
0x1f2: {  	_ =	swait.ge [sflag:s24], $0x4000  }
0x1f3: {  	[sflag:s24] =	ssyncset.done $0x0  }
0x1f4: {  	s23 =	sor.u32 $0x80, s2;
	[sflag:s24] =	ssyncadd.s32 $0xFFFFC000  }
0x1f5: {  	s21 =	simm.s32 $0x680;
	s29 =	simm.s32 $0x0;
	_ =	swait.ge [sflag:s24], $0x4000  }
0x1f6: {  	s2 =	sadd.s32 $0x400, s23;
	s25 =	sadd.s32 $0x17F80, s23;
	[sflag:s24] =	ssyncset.done $0x0  }
0x1f7: {  	s23 =	simm.s32 $0x8680;
	v6 =	vmov s25;
	s3 =	simm.s32 $0x0;
	[sflag:s24] =	ssyncadd.s32 $0xFFFFC000  }
.LBB2_9:
0x1f8: {  	v7 =	vld [tilespmem:s2+$0x0];
	_ =	sdelay $0x4  }
0x1f9: {  	(v2sf) =	vpush v7, $0x0;
	_ =	sdelay $0x5  }
0x1fa: {  	v8 =	vmov s21;
	_ =	sdelay $0x2  }
0x1fb: {  	s9 =	sadd.s32 $0x1, s2  }
0x1fc: {  	s8 =	simm.s32 $0x0;
	v15 =	vld [tilespmem:s9+$0x0]  }
0x1fd: {  	v9 =	vld.idx.msk [tilespmem:v8+s8+$0x4070 ss:$0x1], $0xffff  }
0x1fe: {  	v7 =	vmov s23;
	v10 =	vld.idx.msk [tilespmem:v8+s8+$0x4050 ss:$0x1], $0xffff  }
0x1ff: {  	v11 =	vld.idx.msk [tilespmem:v8+s8+$0x4030 ss:$0x1], $0xffff  }
0x200: {  	v12 =	vld.idx.msk [tilespmem:v8+s8+$0x4010 ss:$0x1], $0xffff  }
0x201: {  	v13 =	vld.idx.msk [tilespmem:v8+s8+$0x4000 ss:$0x1], $0xffff;
	s10 =	spop (v2sf)  }
0x202: {  	v18 =	vld.idx.msk [tilespmem:v8+s8+$0x4020 ss:$0x1], $0xffff;
	s10 =	sshll.u32 s10, $0x9  }
0x203: {  	v14 =	vld.idx.msk [tilespmem:v7+s8+$0x4000 ss:$0x1], $0xffff;
	s10 =	sshra.s32 s10, $0x2  }
0x204: {  	v17 =	vld [tilespmem:s10+$0x10680]  }
0x205: {  	v16 =	vld.idx.msk [tilespmem:v7+s8+$0x4010 ss:$0x1], $0xffff  }
0x206: {  	v21 =	vld.idx.msk [tilespmem:v8+s8+$0x4040 ss:$0x1], $0xffff  }
0x207: {  	v19 =	vld.idx.msk [tilespmem:v7+s8+$0x4020 ss:$0x1], $0xffff;
	(v2sf) =	vpush v15, $0x0  }
0x208: {  	v13 =	vmul.f32 v14, v13;
	v14 =	vld [tilespmem:s10+$0x10690]  }
0x209: {  	v15 =	vld.idx.msk [tilespmem:v7+s8+$0x4030 ss:$0x1], $0xffff;
	v20 =	vand.u32 $0xFFFF0000, v17  }
0x20a: {  	v22 =	vld.idx.msk [tilespmem:v8+s8+$0x4060 ss:$0x1], $0xffff;
	v12 =	vmul.f32 v16, v12;
	v13 =	vmul.f32 v20, v13  }
0x20b: {  	v16 =	vld.idx.msk [tilespmem:v7+s8+$0x4040 ss:$0x1], $0xffff;
	v17 =	vshll.u32 v17, $0x10  }
0x20c: {  	v12 =	vmul.f32 v17, v12;
	v17 =	vmul.f32 v19, v18;
	v18 =	vld [tilespmem:s10+$0x106A0];
	v13 =	vadd.f32 $0.0e+00, v13  }
0x20d: {  	s11 =	simm.s32 $0x80;
	v20 =	vld.idx.msk [tilespmem:v7+s8+$0x4050 ss:$0x1], $0xffff;
	v19 =	vand.u32 $0xFFFF0000, v14  }
0x20e: {  	v23 =	vld.idx.msk [tilespmem:v8+s11+$0x4040 ss:$0x1], $0xffff;
	v11 =	vmul.f32 v15, v11;
	v12 =	vadd.f32 v12, v13;
	v13 =	vmul.f32 v19, v17  }
0x20f: {  	v15 =	vld.idx.msk [tilespmem:v7+s8+$0x4060 ss:$0x1], $0xffff;
	v14 =	vshll.u32 v14, $0x10  }
0x210: {  	v11 =	vmul.f32 v14, v11;
	v14 =	vld [tilespmem:s10+$0x106B0];
	v12 =	vadd.f32 v13, v12;
	v13 =	vmul.f32 v16, v21  }
0x211: {  	v17 =	vld.idx.msk [tilespmem:v7+s8+$0x4070 ss:$0x1], $0xffff;
	v16 =	vand.u32 $0xFFFF0000, v18  }
0x212: {  	v24 =	vld.idx.msk [tilespmem:v8+s11+$0x4060 ss:$0x1], $0xffff;
	v10 =	vmul.f32 v20, v10;
	v11 =	vadd.f32 v11, v12;
	v12 =	vmul.f32 v16, v13  }
0x213: {  	v20 =	vld.idx.msk [tilespmem:v7+s11+$0x4000 ss:$0x1], $0xffff;
	v16 =	vshll.u32 v18, $0x10  }
0x214: {  	v13 =	vld.idx.msk [tilespmem:v8+s11+$0x4030 ss:$0x1], $0xffff;
	v10 =	vmul.f32 v16, v10;
	v11 =	vadd.f32 v12, v11;
	v12 =	vmul.f32 v15, v22  }
0x215: {  	v18 =	vld.idx.msk [tilespmem:v8+s11+$0x4010 ss:$0x1], $0xffff;
	v16 =	vand.u32 $0xFFFF0000, v14  }
0x216: {  	s12 =	sadd.s32 $0x1, s9;
	s13 =	spop (v2sf);
	v9 =	vmul.f32 v17, v9;
	v15 =	vld.idx.msk [tilespmem:v8+s11+$0x4000 ss:$0x1], $0xffff;
	v10 =	vadd.f32 v10, v11;
	v11 =	vmul.f32 v16, v12  }
0x217: {  	s9 =	sshll.u32 s13, $0x9;
	v14 =	vshll.u32 v14, $0x10;
	v12 =	vld [tilespmem:s12+$0x0]  }
0x218: {  	s14 =	sshra.s32 s9, $0x2;
	v9 =	vmul.f32 v14, v9;
	v14 =	vld.idx.msk [tilespmem:v8+s11+$0x4020 ss:$0x1], $0xffff;
	v10 =	vadd.f32 v11, v10  }
0x219: {  	v11 =	vld [tilespmem:s14+$0x10680]  }
0x21a: {  	v16 =	vld.idx.msk [tilespmem:v7+s11+$0x4010 ss:$0x1], $0xffff;
	v9 =	vadd.f32 v9, v10  }
0x21b: {  	v15 =	vmul.f32 v20, v15;
	v20 =	vld [tilespmem:s14+$0x10690]  }
0x21c: {  	v10 =	vld.idx.msk [tilespmem:v7+s11+$0x4020 ss:$0x1], $0xffff;
	(v2sf) =	vpush v12, $0x0;
	v17 =	vperm.xlane v9, v0  }
0x21d: {  	v12 =	vld.idx.msk [tilespmem:v7+s11+$0x4030 ss:$0x1], $0xffff  }
0x21e: {  	v21 =	vld.idx.msk [tilespmem:v8+s11+$0x4050 ss:$0x1], $0xffff;
	v22 =	vand.u32 $0xFFFF0000, v11;
	v9 =	vadd.f32 v9, v17  }
0x21f: {  	v16 =	vmul.f32 v16, v18;
	v18 =	vld.idx.msk [tilespmem:v7+s11+$0x4050 ss:$0x1], $0xffff;
	v15 =	vmul.f32 v22, v15  }
0x220: {  	v11 =	vshll.u32 v11, $0x10;
	v17 =	vld.idx.msk [tilespmem:v7+s11+$0x4040 ss:$0x1], $0xffff;
	v22 =	vperm.xlane v9, v1  }
0x221: {  	v11 =	vmul.f32 v11, v16;
	v10 =	vmul.f32 v10, v14;
	v14 =	vld [tilespmem:s14+$0x106A0];
	v15 =	vadd.f32 $0.0e+00, v15  }
0x222: {  	v19 =	vld.idx.msk [tilespmem:v8+s11+$0x4070 ss:$0x1], $0xffff;
	v16 =	vand.u32 $0xFFFF0000, v20;
	v12 =	vmul.f32 v12, v13;
	v9 =	vadd.f32 v9, v22  }
0x223: {  	v13 =	vshll.u32 v20, $0x10;
	v20 =	vld.idx.msk [tilespmem:v7+s11+$0x4070 ss:$0x1], $0xffff;
	v10 =	vmul.f32 v16, v10;
	v11 =	vadd.f32 v11, v15  }
0x224: {  	v15 =	vld.idx.msk [tilespmem:v7+s11+$0x4060 ss:$0x1], $0xffff;
	v16 =	vperm.xlane v9, v2  }
0x225: {  	s9 =	simm.s32 $0x100;
	v12 =	vmul.f32 v13, v12;
	v13 =	vmul.f32 v17, v23;
	v23 =	vld [tilespmem:s14+$0x106B0];
	v22 =	vadd.f32 v10, v11  }
0x226: {  	v18 =	vmul.f32 v18, v21;
	v10 =	vld.idx.msk [tilespmem:v8+s9+$0x4070 ss:$0x1], $0xffff;
	v17 =	vand.u32 $0xFFFF0000, v14;
	v9 =	vadd.f32 v9, v16  }
0x227: {  	v11 =	vld.idx.msk [tilespmem:v8+s9+$0x4050 ss:$0x1], $0xffff;
	v14 =	vshll.u32 v14, $0x10;
	v17 =	vmul.f32 v17, v13;
	v16 =	vadd.f32 v12, v22  }
0x228: {  	v21 =	vimm.f32 $0.0e+00;
	v13 =	vld.idx.msk [tilespmem:v8+s9+$0x4010 ss:$0x1], $0xffff;
	v18 =	vmul.f32 v14, v18;
	v22 =	vperm.xlane v9, v3  }
0x229: {  	v14 =	vld.idx.msk [tilespmem:v8+s9+$0x4000 ss:$0x1], $0xffff;
	v24 =	vmul.f32 v15, v24;
	v15 =	vmov s3;
	v16 =	vadd.f32 v17, v16  }
0x22a: {  	v12 =	vld.idx.msk [tilespmem:v8+s9+$0x4030 ss:$0x1], $0xffff;
	v25 =	vand.u32 $0xFFFF0000, v23;
	vm0 =	veq.s32 v15, v4;
	v9 =	vadd.f32 v9, v22  }
0x22b: {  	s10 =	simm.s32 $0x600;
	s11 =	sadd.s32 $0x1, s12;
	v17 =	vld.idx.msk [tilespmem:v7+s9+$0x4000 ss:$0x1], $0xffff;
	s25 =	spop (v2sf);
	v15 =	vadd.f32 v18, v16;
	v16 =	vmul.f32 v25, v24;
	v18 =	vmul.f32 v20, v19  }
0x22c: {  	s8 =	simm.s32 $0x0;
	s12 =	simm.s32 $0x800;
	v20 =	vld [tilespmem:s11+$0x0];
	v19 =	vshll.u32 v23, $0x10;
	s13 =	sshll.u32 s25, $0x9;
	v9 =	vsel vm0, v9, v21  }
.LBB2_10:
0x22d: {  	p1 =	sne.s32 s12, $0x1E00;
	s13 =	sshra.s32 s13, $0x2;
	v21 =	vld.idx.msk [tilespmem:v7+s9+$0x4010 ss:$0x1], $0xffff;
	v15 =	vadd.f32 v16, v15;
	v16 =	vmul.f32 v19, v18  }
0x22e: {  	v18 =	vld [tilespmem:s13+$0x10680]  }
0x22f: {  	v19 =	vld.idx.msk [tilespmem:v8+s9+$0x4020 ss:$0x1], $0xffff;
	v15 =	vadd.f32 v16, v15  }
0x230: {  	v16 =	vld.idx.msk [tilespmem:v7+s9+$0x4020 ss:$0x1], $0xffff  }
0x231: {  	(v2sf) =	vpush v20, $0x0;
	v20 =	vld.idx.msk [tilespmem:v7+s9+$0x4030 ss:$0x1], $0xffff;
	v22 =	vperm.xlane v15, v0  }
0x232: {  	v14 =	vmul.f32 v17, v14;
	v17 =	vld [tilespmem:s13+$0x10690]  }
0x233: {  	v23 =	vand.u32 $0xFFFF0000, v18;
	v24 =	vld.idx.msk [tilespmem:v8+s9+$0x4040 ss:$0x1], $0xffff;
	v15 =	vadd.f32 v15, v22  }
0x234: {  	v13 =	vmul.f32 v21, v13;
	v14 =	vmul.f32 v23, v14;
	v21 =	vld.idx.msk [tilespmem:v7+s9+$0x4040 ss:$0x1], $0xffff  }
0x235: {  	v18 =	vshll.u32 v18, $0x10;
	v22 =	vld.idx.msk [tilespmem:v7+s9+$0x4050 ss:$0x1], $0xffff;
	v23 =	vperm.xlane v15, v1  }
0x236: {  	v13 =	vmul.f32 v18, v13;
	v16 =	vmul.f32 v16, v19;
	v14 =	vadd.f32 $0.0e+00, v14;
	v18 =	vld [tilespmem:s13+$0x106A0]  }
0x237: {  	v19 =	vand.u32 $0xFFFF0000, v17;
	v25 =	vld.idx.msk [tilespmem:v8+s9+$0x4060 ss:$0x1], $0xffff;
	v15 =	vadd.f32 v15, v23  }
0x238: {  	v12 =	vmul.f32 v20, v12;
	v13 =	vadd.f32 v13, v14;
	v14 =	vmul.f32 v19, v16;
	v16 =	vld.idx.msk [tilespmem:v7+s9+$0x4060 ss:$0x1], $0xffff  }
0x239: {  	v17 =	vshll.u32 v17, $0x10;
	v19 =	vld.idx.msk [tilespmem:v7+s9+$0x4070 ss:$0x1], $0xffff;
	v20 =	vperm.xlane v15, v2  }
0x23a: {  	v12 =	vmul.f32 v17, v12;
	s9 =	sshra.s32 s10, $0x2;
	s10 =	smov.u32 s12;
	v13 =	vadd.f32 v14, v13;
	v14 =	vmul.f32 v21, v24;
	v21 =	vld [tilespmem:s13+$0x106B0]  }
0x23b: {  	v23 =	vld.idx.msk [tilespmem:v8+s9+$0x4070 ss:$0x1], $0xffff;
	v17 =	vand.u32 $0xFFFF0000, v18;
	v15 =	vadd.f32 v15, v20  }
0x23c: {  	s8 =	sadd.s32 $0x1, s8;
	v20 =	vadd.f32 v12, v13;
	v14 =	vmul.f32 v17, v14;
	v17 =	vmul.f32 v22, v11;
	v11 =	vld.idx.msk [tilespmem:v8+s9+$0x4050 ss:$0x1], $0xffff  }
.Ltmp5:
0x23d: {  	v24 =	vmov s8;
	v18 =	vshll.u32 v18, $0x10;
	v12 =	vld.idx.msk [tilespmem:v8+s9+$0x4030 ss:$0x1], $0xffff;
	v22 =	vperm.xlane v15, v3;
	(pc) =	sbr.rel @p1 .LBB2_10-.Ltmp5, $4  }
0x23e: {  	v16 =	vmul.f32 v16, v25;
	v13 =	vld.idx.msk [tilespmem:v8+s9+$0x4010 ss:$0x1], $0xffff;
	v20 =	vadd.f32 v14, v20;
	v18 =	vmul.f32 v18, v17  }
0x23f: {  	vm0 =	veq.s32 v24, v4;
	v14 =	vld.idx.msk [tilespmem:v8+s9+$0x4000 ss:$0x1], $0xffff;
	v25 =	vand.u32 $0xFFFF0000, v21;
	v22 =	vadd.f32 v15, v22  }
0x240: {  	s11 =	sadd.s32 $0x1, s11;
	v17 =	vld.idx.msk [tilespmem:v7+s9+$0x4000 ss:$0x1], $0xffff;
	s13 =	spop (v2sf);
	v15 =	vadd.f32 v18, v20;
	v16 =	vmul.f32 v25, v16;
	v18 =	vmul.f32 v19, v10  }
0x241: {  	s12 =	sadd.s32 $0x200, s12;
	v19 =	vshll.u32 v21, $0x10;
	v10 =	vmov v23;
	v20 =	vld [tilespmem:s11+$0x0];
	s13 =	sshll.u32 s13, $0x9;
	v9 =	vsel vm0, v22, v9  }
0x242: {  	_ =	sdelay $0x3  }
0x243: {  	v21 =	vld.idx.msk [tilespmem:v7+s9+$0x4010 ss:$0x1], $0xffff  }
0x244: {  	v22 =	vld.idx.msk [tilespmem:v8+s9+$0x4020 ss:$0x1], $0xffff  }
0x245: {  	v23 =	vld.idx.msk [tilespmem:v7+s9+$0x4020 ss:$0x1], $0xffff;
	(v2sf) =	vpush v20, $0x0  }
0x246: {  	v24 =	vld.idx.msk [tilespmem:v7+s9+$0x4030 ss:$0x1], $0xffff  }
0x247: {  	v26 =	vld.idx.msk [tilespmem:v8+s9+$0x4040 ss:$0x1], $0xffff  }
0x248: {  	v27 =	vld.idx.msk [tilespmem:v7+s9+$0x4040 ss:$0x1], $0xffff  }
0x249: {  	v28 =	vld.idx.msk [tilespmem:v7+s9+$0x4050 ss:$0x1], $0xffff  }
0x24a: {  	v30 =	vld.idx.msk [tilespmem:v8+s9+$0x4060 ss:$0x1], $0xffff  }
0x24b: {  	v31 =	vld.idx.msk [tilespmem:v7+s9+$0x4060 ss:$0x1], $0xffff  }
0x24c: {  	s11 =	sshra.s32 s13, $0x2;
	v32 =	vld.idx.msk [tilespmem:v7+s9+$0x4070 ss:$0x1], $0xffff  }
0x24d: {  	v52 =	vld [tilespmem:s11+$0x10680]  }
0x24e: {  	v25 =	vld [tilespmem:s11+$0x10690]  }
0x24f: {  	s13 =	sshra.s32 s10, $0x2;
	v29 =	vld [tilespmem:s11+$0x106A0]  }
0x250: {  	v35 =	vld.idx.msk [tilespmem:v8+s13+$0x4010 ss:$0x1], $0xffff  }
0x251: {  	v53 =	vld.idx.msk [tilespmem:v8+s13+$0x4000 ss:$0x1], $0xffff  }
0x252: {  	v37 =	vld.idx.msk [tilespmem:v7+s13+$0x4000 ss:$0x1], $0xffff  }
0x253: {  	v55 =	vld.idx.msk [tilespmem:v7+s13+$0x4010 ss:$0x1], $0xffff  }
0x254: {  	v58 =	vld.idx.msk [tilespmem:v8+s13+$0x4020 ss:$0x1], $0xffff;
	s14 =	spop (v2sf)  }
0x255: {  	v18 =	vmul.f32 v19, v18;
	v60 =	vld.idx.msk [tilespmem:v7+s13+$0x4020 ss:$0x1], $0xffff;
	s10 =	sshll.u32 s14, $0x9  }
0x256: {  	v15 =	vadd.f32 v16, v15;
	v38 =	vld.idx.msk [tilespmem:v8+s13+$0x4040 ss:$0x1], $0xffff;
	v14 =	vmul.f32 v17, v14;
	v13 =	vmul.f32 v21, v13;
	s10 =	sshra.s32 s10, $0x2  }
0x257: {  	v57 =	vmul.f32 v23, v22;
	v12 =	vmul.f32 v24, v12;
	v54 =	vld [tilespmem:s10+$0x10680]  }
0x258: {  	v40 =	vld.idx.msk [tilespmem:v7+s13+$0x4040 ss:$0x1], $0xffff;
	v15 =	vadd.f32 v18, v15;
	v39 =	vmul.f32 v27, v26;
	v11 =	vmul.f32 v28, v11  }
0x259: {  	v33 =	vld [tilespmem:s11+$0x106B0];
	v49 =	vmul.f32 v31, v30;
	v10 =	vmul.f32 v32, v10;
	v36 =	vand.u32 $0xFFFF0000, v52  }
0x25a: {  	v56 =	vld.idx.msk [tilespmem:v8+s13+$0x4030 ss:$0x1], $0xffff;
	v20 =	vshll.u32 v52, $0x10;
	v59 =	vand.u32 $0xFFFF0000, v25;
	v17 =	vmul.f32 v37, v53  }
0x25b: {  	v35 =	vmul.f32 v55, v35;
	v25 =	vshll.u32 v25, $0x10;
	v22 =	vmul.f32 v60, v58;
	v61 =	vld [tilespmem:s10+$0x10690]  }
0x25c: {  	v43 =	vand.u32 $0xFFFF0000, v29;
	v14 =	vmul.f32 v36, v14;
	v36 =	vld.idx.msk [tilespmem:v7+s13+$0x4030 ss:$0x1], $0xffff;
	v62 =	vand.u32 $0xFFFF0000, v54  }
0x25d: {  	v34 =	vld.idx.msk [tilespmem:v8+s13+$0x4070 ss:$0x1], $0xffff;
	v45 =	vshll.u32 v29, $0x10;
	v47 =	vmul.f32 v40, v38;
	v63 =	vmul.f32 v62, v17  }
0x25e: {  	v44 =	vld.idx.msk [tilespmem:v7+s13+$0x4050 ss:$0x1], $0xffff;
	v13 =	vmul.f32 v20, v13;
	v14 =	vadd.f32 $0.0e+00, v14;
	v21 =	vshll.u32 v54, $0x10  }
0x25f: {  	v51 =	vand.u32 $0xFFFF0000, v33;
	v41 =	vld [tilespmem:s10+$0x106A0];
	v17 =	vmul.f32 v21, v35;
	v16 =	vadd.f32 $0.0e+00, v63  }
0x260: {  	v37 =	vld.idx.msk [tilespmem:v8+s13+$0x4050 ss:$0x1], $0xffff;
	v13 =	vadd.f32 v13, v14;
	v14 =	vmul.f32 v59, v57;
	v42 =	vand.u32 $0xFFFF0000, v61  }
0x261: {  	v46 =	vld.idx.msk [tilespmem:v7+s13+$0x4060 ss:$0x1], $0xffff;
	v20 =	vmul.f32 v36, v56;
	v16 =	vadd.f32 v17, v16;
	v17 =	vmul.f32 v42, v22  }
0x262: {  	v8 =	vld.idx.msk [tilespmem:v8+s13+$0x4060 ss:$0x1], $0xffff;
	v12 =	vmul.f32 v25, v12;
	v13 =	vadd.f32 v14, v13;
	v19 =	vshll.u32 v61, $0x10  }
0x263: {  	v53 =	vshll.u32 v33, $0x10;
	v48 =	vld [tilespmem:s10+$0x106B0];
	v19 =	vmul.f32 v19, v20;
	v16 =	vadd.f32 v17, v16  }
0x264: {  	v18 =	vmul.f32 v43, v39;
	v7 =	vld.idx.msk [tilespmem:v7+s13+$0x4070 ss:$0x1], $0xffff;
	v12 =	vadd.f32 v12, v13;
	v50 =	vand.u32 $0xFFFF0000, v41  }
0x265: {  	v14 =	vmul.f32 v44, v37;
	v17 =	vmul.f32 v50, v47;
	v16 =	vadd.f32 v19, v16  }
0x266: {  	v11 =	vmul.f32 v45, v11;
	v12 =	vadd.f32 v18, v12;
	v13 =	vshll.u32 v41, $0x10  }
0x267: {  	v8 =	vmul.f32 v46, v8;
	v13 =	vmul.f32 v13, v14;
	v16 =	vadd.f32 v17, v16  }
0x268: {  	v52 =	vmul.f32 v51, v49;
	v11 =	vadd.f32 v11, v12;
	v54 =	vand.u32 $0xFFFF0000, v48  }
0x269: {  	v7 =	vmul.f32 v7, v34;
	v8 =	vmul.f32 v54, v8;
	v13 =	vadd.f32 v13, v16  }
0x26a: {  	v10 =	vmul.f32 v53, v10;
	v11 =	vadd.f32 v52, v11;
	v55 =	vshll.u32 v48, $0x10  }
0x26b: {  	v7 =	vmul.f32 v55, v7;
	v8 =	vadd.f32 v8, v13  }
0x26c: {  	v10 =	vadd.f32 v10, v11  }
0x26d: {  	v56 =	vperm.xlane v15, v0;
	v7 =	vadd.f32 v7, v8  }
0x26e: {  	v11 =	vperm.xlane v10, v0  }
0x26f: {  	v8 =	vadd.f32 v15, v56;
	v57 =	vperm.xlane v7, v0  }
0x270: {  	v10 =	vadd.f32 v10, v11  }
0x271: {  	v58 =	vperm.xlane v8, v1;
	v7 =	vadd.f32 v7, v57  }
0x272: {  	v11 =	vperm.xlane v10, v1  }
0x273: {  	v8 =	vadd.f32 v8, v58;
	v12 =	vperm.xlane v7, v1  }
0x274: {  	v10 =	vadd.f32 v10, v11  }
0x275: {  	v13 =	vperm.xlane v8, v2;
	v7 =	vadd.f32 v7, v12  }
0x276: {  	v11 =	vperm.xlane v10, v2  }
0x277: {  	v8 =	vadd.f32 v8, v13;
	v12 =	vperm.xlane v7, v2  }
0x278: {  	v10 =	vadd.f32 v10, v11  }
0x279: {  	s8 =	sadd.s32 $0x1, s8;
	v13 =	vperm.xlane v8, v3;
	v7 =	vadd.f32 v7, v12  }
0x27a: {  	v59 =	vmov s8;
	s8 =	sadd.s32 $0x1, s8;
	v60 =	vperm.xlane v10, v3  }
0x27b: {  	v62 =	vmov s8;
	v8 =	vadd.f32 v8, v13;
	v61 =	vperm.xlane v7, v3  }
0x27c: {  	vm0 =	veq.s32 v59, v4;
	s8 =	sadd.s32 $0x1, s8;
	vm14 =	veq.s32 v62, v4;
	v10 =	vadd.f32 v10, v60  }
0x27d: {  	v63 =	vmov s8;
	v8 =	vsel vm0, v8, v9;
	v7 =	vadd.f32 v7, v61  }
0x27e: {  	vm15 =	veq.s32 v63, v4;
	v8 =	vsel vm14, v10, v8  }
0x27f: {  	v7 =	vsel vm15, v7, v8  }
0x280: {  	v7 =	vadd.f32 v7, v5;
	_ =	sdelay $0x1  }
0x281: {  	v7 =	vsub.f32 $0.0e+00, v7;
	_ =	sdelay $0x1  }
0x282: {  	v7 =	vmul.f32 $1.442695020e+00, v7;
	_ =	sdelay $0x1  }
0x283: {  	(erf) = vpow2.f32 v7;
	_ =	sdelay $0x8  }
0x284: {  	v7 =	vpop (erf)  }
0x285: {  	v7 =	vadd.f32 $1.000000000e+00, v7;
	_ =	sdelay $0x1  }
0x286: {  	(erf) = vrcp.f32 v7;
	_ =	sdelay $0x3  }
0x287: {  	s25 =	sshll.u32 s29, $0x4;
	s29 =	sadd.s32 $0x1, s29  }
0x288: {  	p1 =	sne.s32 s29, $0x8  }
.Ltmp6:
0x289: {  	_ = 	snop;
	(pc) =	sbr.rel @p1 .LBB2_9-.Ltmp6, $3  }
0x28a: {  	_ =	sdelay $0x1  }
0x28b: {  	s8 =	sand.u32 $0x3FFFFFF0, s25;
	v7 =	vpop (erf)  }
0x28c: {  	s2 =	sadd.s32 $0x10, s2;
	s21 =	sadd.s32 $0x800, s21;
	s23 =	sadd.s32 $0x800, s23;
	[tilespmem:v6+s8+$0x0 ss:$0x1] =	vst.idx.msk $0xffff, v7  }
.Ltmp7:
0x28d: {  	(pc) =	sbr.rel @!p0 .LBB2_14-.Ltmp7, $1  }
0x28e: {  	_ =	sdelay $0x3  }
.Ltmp8:
0x28f: {  	(pc) =	sbr.rel .LBB2_4-.Ltmp8, $4  }
0x290: {  	_ = 	snop  }
0x291: {  	[tilespmem:s4], [sflag:$0x2] =	stream.indirect.gather [hbm4b:s0+s26], $0x80, s31, s26, $0xb8;
	[tilespmem:$0x18580] =	vst v63  }
0x292: {  	s2 =	simm.s32 $0x400;
	p0 =	por $0x0, $0x0  }
0x293: {  	[tilespmem:s20], [sflag:$0x2] =	stream.indirect.gather [hbm4b:s0+s26], $0x80, s1, s26, $0xb8;
	[tilespmem:$0x18580] =	vst v63  }
.LBB2_15:
0x294: {  	_ =	sfence.sel $0x180000  }
0x295: {  	[bflag:$0x0] =	sbarrier.arrive $0xFFFF  }
0x296: {  	_ =	strace $0x90000047  }
0x297: {  	s0 =	stileid.u32;
	[bflag:$0x2] =	sbarrier.arrive $0xFFFF  }
0x298: {  	p0 =	sne.s32 s0, $0x0;
	s0 =	rddreg [dreg:$0x9]  }
0x299: {  	s0 =	sadd.s32 @!p0 $0x100000, s0  }
0x29a: {  	[sflag:s0] =	ssyncadd.tile.s32 @!p0 $0x1;
	_ =	shalt  }
.Lfunc_end2:
_tile_overlayer_lowered:
.L_overlay_start_2:
0x29b: {  	(tag) =	ssettag $0x2  }
0x29c: {  	s0 =	rddreg [dreg:$0x0];
	s2 =	stileid.u32  }
0x29d: {  	s1 =	rddreg [dreg:$0x1];
	p0 =	sne.s32 s2, $0x0  }
0x29e: {  	s3 =	rddreg [dreg:$0x2];
	[bflag:$0x3] =	sbarrier.arrive $0xFFFF;
	s2 =	simm.s32 @!p0 $0x1C03  }
0x29f: {  	[timem:s3], [sflag:s2] =	dma.local @!p0 [hbm:s0], s1  }
0x2a0: {  	s0 =	simm.s32 @!p0 $0x3  }
0x2a1: {  	_ =	swait.ge @!p0 [sflag:s0], s1  }
0x2a2: {  	s1 =	ssub.s32 @!p0 $0x0, s1;
	[sflag:s0] =	ssyncset.done @!p0 $0x0  }
0x2a3: {  	[sflag:s0] =	ssyncadd.s32 @!p0 s1  }
0x2a4: {  	[bflag:$0x3] =	sbarrier.arrive $0xFFFF  }
0x2a5: {  	_ =	shalt  }

</sc_bundles>
